<compile_context>
chip_gen: v7x
topology: tpu7x:2x2x1
jax: 0.10.2.dev20260603
libtpu: 0.0.44.dev20260713+nightly
codegen_flags: <defaults>
</compile_context>

<pallas_src>
import functools

import numpy as np
import jax
import jax.numpy as jnp
from jax import lax
from jax.experimental import pallas as pl
from jax.experimental.pallas import tpu as pltpu
from jax.experimental.pallas import tpu_sc as plsc

_NF = 26
_VOCAB = 100000
_DE = 32
_DM = 128
_B = 1024
_L = 50
_BL = _B * _L
_FAN_IN = _NF * _DE
_FAN_PAD = 896
_NTILE = 7
_NGRP = _BL // 8

_NC = 2
_NS = 16
_NW = _NC * _NS
_GRP_W = _NGRP // _NW
_IDX_W = _GRP_W * 8 * _NF
_ROWS_GRP = 8 * 4 * _NTILE
_ROWS_W = _GRP_W * _ROWS_GRP
_TOT_ROWS = _NGRP * _ROWS_GRP
_G = 128
_CG = 10
_CHUNK = _CG * _G
_NCHUNK = _ROWS_W // _CHUNK

_PERM_NP = np.zeros(_ROWS_GRP, dtype=np.int32)
_OFF_NP = np.zeros(_ROWS_GRP, dtype=np.int32)
for _j in range(_NTILE):
    for _r in range(8):
        for _p in range(4):
            _i = 4 * _j + _p
            _k = _j * 32 + _r * 4 + _p
            if _i < _NF:
                _PERM_NP[_k] = _r * _NF + _i
                _OFF_NP[_k] = 4 * _i * _VOCAB
            else:
                _PERM_NP[_k] = _r * _NF
                _OFF_NP[_k] = 0

_mesh = plsc.VectorSubcoreMesh(core_axis_name="c", subcore_axis_name="s")


def _gather_body(samp_hbm, table_hbm, perm_hbm, off_hbm, out_hbm,
                 samp_v, idxp_v, perm_v, off_v, rows_v, gsem):
    wid = lax.axis_index("s") * _NC + lax.axis_index("c")
    pltpu.sync_copy(perm_hbm, perm_v)
    pltpu.sync_copy(off_hbm, off_v)
    pltpu.sync_copy(samp_hbm.at[wid], samp_v)

    @pl.loop(0, _GRP_W)
    def _(g):
        sb = g * (8 * _NF)
        tb = g * _ROWS_GRP
        for s in range(_ROWS_GRP // 16):
            pv = perm_v[pl.ds(s * 16, 16)] + sb
            vals = plsc.load_gather(samp_v, [pv])
            idxp_v[pl.ds(tb + s * 16, 16)] = (
                vals * 4 + off_v[pl.ds(s * 16, 16)]
            )

    base = wid * _ROWS_W

    @pl.loop(0, _NCHUNK)
    def _(c):
        copies = []
        for g in range(_CG):
            copies.append(
                pltpu.async_copy(
                    table_hbm.at[idxp_v.at[pl.ds((c * _CG + g) * _G, _G)]],
                    rows_v.at[pl.ds(g * _G, _G)],
                    gsem,
                )
            )
        for cp in copies:
            cp.wait()
        pltpu.sync_copy(rows_v, out_hbm.at[pl.ds(base + c * _CHUNK, _CHUNK)])


def _sc_gather(samp_rs, tables_flat, perm, off):
    k = functools.partial(
        pl.kernel,
        mesh=_mesh,
        compiler_params=pltpu.CompilerParams(
            use_tc_tiling_on_sc=False, needs_layout_passes=False
        ),
        out_type=jax.ShapeDtypeStruct((_TOT_ROWS, _DE), jnp.float32),
        name="sc_gather",
        scratch_types=[
            pltpu.VMEM((_IDX_W,), jnp.int32),
            pltpu.VMEM((_ROWS_W,), jnp.int32),
            pltpu.VMEM((_ROWS_GRP,), jnp.int32),
            pltpu.VMEM((_ROWS_GRP,), jnp.int32),
            pltpu.VMEM((_CHUNK, _DE), jnp.float32),
            pltpu.SemaphoreType.DMA,
        ],
    )(_gather_body)
    return k(samp_rs, tables_flat, perm, off)


_BG = 256


def _mm_body(x_ref, w_ref, b_ref, o_ref):
    acc = jnp.broadcast_to(b_ref[...], (_BG * 8, _DM))
    for j in range(_NTILE):
        xj = x_ref[:, j].reshape(_BG * 8, _DM)
        acc = acc + jnp.dot(xj, w_ref[j], preferred_element_type=jnp.float32)
    o_ref[...] = acc


def _mm(x4d, w4, b2):
    return pl.pallas_call(
        _mm_body,
        grid=(_NGRP // _BG,),
        in_specs=[
            pl.BlockSpec((_BG, _NTILE, 8, _DM), lambda i: (i, 0, 0, 0)),
            pl.BlockSpec((_NTILE, _DM, _DM), lambda i: (0, 0, 0)),
            pl.BlockSpec((1, _DM), lambda i: (0, 0)),
        ],
        out_specs=pl.BlockSpec((_BG * 8, _DM), lambda i: (i, 0)),
        out_shape=jax.ShapeDtypeStruct((_BL, _DM), jnp.float32),
    )(x4d, w4, b2)


def kernel(sample, tables, W, b):
    samp_rs = sample.reshape(_NW, _IDX_W)
    tpad = jnp.pad(tables, ((0, 0), (0, 0), (0, 128 - _DE)))
    tables_flat = tpad.reshape(4 * _NF * _VOCAB, _DE)
    gathered = _sc_gather(
        samp_rs, tables_flat, jnp.asarray(_PERM_NP), jnp.asarray(_OFF_NP)
    )
    x4d = gathered.reshape(_NGRP, _NTILE, 8, _DM)
    w4 = (
        jnp.zeros((_FAN_PAD, _DM), jnp.float32)
        .at[:_FAN_IN]
        .set(W)
        .reshape(_NTILE, _DM, _DM)
    )
    out = _mm(x4d, w4, b.reshape(1, _DM))
    return out.reshape(_B, _L, _DM)

# --- scband reference (transcript-rebuilt; emitter-appended) ---
"""Pipeline reference for scband-rpp-embedding-79396765433892 (READ-ONLY COPY).

The authoritative reference and input builder live on the scoring server;
editing this copy changes nothing except your own understanding.
"""

import jax, jax.numpy as jnp
import numpy as np

N_FEATURES = 26
VOCAB = 100000
D_EMBED = 32
D_MODEL = 128
B = 1024
L = 50


def setup_inputs(seed: int = 0) -> dict:
    key = jax.random.key(seed)
    k1, k2, k3 = jax.random.split(key, 3)
    sample = jax.random.randint(k1, (B, L, N_FEATURES), 0, VOCAB, dtype=jnp.int32)
    # 26 embedding tables, each [VOCAB, D_EMBED], padding_idx=0 row zeroed (torch nn.Embedding padding_idx)
    tables = jax.random.normal(k2, (N_FEATURES, VOCAB, D_EMBED), dtype=jnp.float32) * 0.02
    tables = tables.at[:, 0, :].set(0.0)
    # token_embedding: Linear(26*32 -> 128)
    fan_in = N_FEATURES * D_EMBED
    bound = 1.0 / np.sqrt(fan_in)
    kw, kb = jax.random.split(k3)
    W = jax.random.uniform(kw, (fan_in, D_MODEL), dtype=jnp.float32, minval=-bound, maxval=bound)
    b = jax.random.uniform(kb, (D_MODEL,), dtype=jnp.float32, minval=-bound, maxval=bound)
    return {"sample": sample, "tables": tables, "W": W, "b": b}


def reference(sample, tables, W, b):
    # per-feature embedding lookup: embeds[i] = embeddings[i](sample[..., i])
    embeds = [jnp.take(tables[i], sample[..., i], axis=0) for i in range(N_FEATURES)]
    embeds = jnp.concatenate(embeds, axis=-1)  # [B, L, 26*32]
    # token_embedding linear
    out = embeds @ W + b  # [B, L, D_MODEL]
    return out

if __name__ == "__main__":
    import jax
    _d = setup_inputs()
    print(jax.jit(kernel)(*tuple(_d.values())))

</pallas_src>

<mosaic_0001>
#map = affine_map<(d0, d1) -> (0, 0)>
#map1 = affine_map<(d0, d1) -> (0)>
module attributes {stable_mosaic.version = 14 : i64} {
  func.func @sc_gather(%arg0: i32, %arg1: i32, %arg2: memref<32x41600xi32, #tpu.memory_space<hbm>>, %arg3: memref<10400000x32xf32, #tpu.memory_space<hbm>>, %arg4: memref<224xi32, #tpu.memory_space<hbm>>, %arg5: memref<224xi32, #tpu.memory_space<hbm>>, %arg6: memref<1433600x32xf32, #tpu.memory_space<hbm>>, %arg7: memref<41600xi32, #tpu.memory_space<vmem>>, %arg8: memref<44800xi32, #tpu.memory_space<vmem>>, %arg9: memref<224xi32, #tpu.memory_space<vmem>>, %arg10: memref<224xi32, #tpu.memory_space<vmem>>, %arg11: memref<1280x32xf32, #tpu.memory_space<vmem>>, %arg12: memref<!tpu.dma_semaphore, #tpu.memory_space<semaphore_mem>>) attributes {dimension_semantics = [#tpu.dimension_semantics<core_parallel>, #tpu.dimension_semantics<subcore_parallel>], iteration_bounds = array<i64: 2, 16>, scalar_prefetch = 0 : i64, scratch_operands = 6 : i64, tpu.core_type = #tpu.core_type<sc_vector_subcore>, window_params = [{transform_indices = #map}, {transform_indices = #map}, {transform_indices = #map1}, {transform_indices = #map1}, {transform_indices = #map}]} {
    %mul3A = arith.constant 2 : i32
    %mul3A_0 = arith.muli %arg1, %mul3A : i32
    %add3A = arith.addi %mul3A_0, %arg0 : i32
    "tpu.region"() ({
      %run_scoped3A = tpu.sem_alloc : memref<!tpu.dma_semaphore, #tpu.memory_space<semaphore_mem>>
      tpu.enqueue_dma source(%arg4 : memref<224xi32, #tpu.memory_space<hbm>>) target(%arg9 : memref<224xi32, #tpu.memory_space<vmem>>) target_semaphore(%run_scoped3A : memref<!tpu.dma_semaphore, #tpu.memory_space<semaphore_mem>>)
      tpu.wait_dma2 semaphore(%run_scoped3A : memref<!tpu.dma_semaphore, #tpu.memory_space<semaphore_mem>>) src(%arg4 : memref<224xi32, #tpu.memory_space<hbm>>) dst(%arg9 : memref<224xi32, #tpu.memory_space<vmem>>)
      tpu.yield
    }) : () -> ()
    "tpu.region"() ({
      %run_scoped3A = tpu.sem_alloc : memref<!tpu.dma_semaphore, #tpu.memory_space<semaphore_mem>>
      tpu.enqueue_dma source(%arg5 : memref<224xi32, #tpu.memory_space<hbm>>) target(%arg10 : memref<224xi32, #tpu.memory_space<vmem>>) target_semaphore(%run_scoped3A : memref<!tpu.dma_semaphore, #tpu.memory_space<semaphore_mem>>)
      tpu.wait_dma2 semaphore(%run_scoped3A : memref<!tpu.dma_semaphore, #tpu.memory_space<semaphore_mem>>) src(%arg5 : memref<224xi32, #tpu.memory_space<hbm>>) dst(%arg10 : memref<224xi32, #tpu.memory_space<vmem>>)
      tpu.yield
    }) : () -> ()
    "tpu.region"() ({
      %run_scoped3A = tpu.sem_alloc : memref<!tpu.dma_semaphore, #tpu.memory_space<semaphore_mem>>
      %dma_start3A = arith.constant 0 : i32
      %dma_start3A_12 = tpu.memref_slice %arg2[%add3A, %dma_start3A] : memref<32x41600xi32, #tpu.memory_space<hbm>> -> memref<1x41600xi32, #tpu.memory_space<hbm>>
      %dma_start3A_13 = tpu.memref_squeeze %dma_start3A_12 : memref<1x41600xi32, #tpu.memory_space<hbm>> -> memref<41600xi32, #tpu.memory_space<hbm>>
      %dma_start3A_14 = arith.constant 0 : i32
      %dma_start3A_15 = tpu.memref_slice %arg2[%add3A, %dma_start3A_14] : memref<32x41600xi32, #tpu.memory_space<hbm>> -> memref<1x41600xi32, #tpu.memory_space<hbm>>
      %dma_start3A_16 = tpu.memref_squeeze %dma_start3A_15 : memref<1x41600xi32, #tpu.memory_space<hbm>> -> memref<41600xi32, #tpu.memory_space<hbm>>
      tpu.enqueue_dma source(%dma_start3A_16 : memref<41600xi32, #tpu.memory_space<hbm>>) target(%arg7 : memref<41600xi32, #tpu.memory_space<vmem>>) target_semaphore(%run_scoped3A : memref<!tpu.dma_semaphore, #tpu.memory_space<semaphore_mem>>)
      %dma_wait3A = arith.constant 0 : i32
      %dma_wait3A_17 = tpu.memref_slice %arg2[%add3A, %dma_wait3A] : memref<32x41600xi32, #tpu.memory_space<hbm>> -> memref<1x41600xi32, #tpu.memory_space<hbm>>
      %dma_wait3A_18 = tpu.memref_squeeze %dma_wait3A_17 : memref<1x41600xi32, #tpu.memory_space<hbm>> -> memref<41600xi32, #tpu.memory_space<hbm>>
      %dma_wait3A_19 = arith.constant 0 : i32
      %dma_wait3A_20 = tpu.memref_slice %arg2[%add3A, %dma_wait3A_19] : memref<32x41600xi32, #tpu.memory_space<hbm>> -> memref<1x41600xi32, #tpu.memory_space<hbm>>
      %dma_wait3A_21 = tpu.memref_squeeze %dma_wait3A_20 : memref<1x41600xi32, #tpu.memory_space<hbm>> -> memref<41600xi32, #tpu.memory_space<hbm>>
      tpu.wait_dma2 semaphore(%run_scoped3A : memref<!tpu.dma_semaphore, #tpu.memory_space<semaphore_mem>>) src(%dma_wait3A_21 : memref<41600xi32, #tpu.memory_space<hbm>>) dst(%arg7 : memref<41600xi32, #tpu.memory_space<vmem>>)
      tpu.yield
    }) : () -> ()
    %scan3A = arith.constant 0 : i32
    %scan3A_1 = arith.constant 200 : i32
    %scan3A_2 = arith.addi %scan3A, %scan3A_1 : i32
    %scan3A_3 = arith.constant 1 : i32
    scf.for %scan3A_12 = %scan3A to %scan3A_2 step %scan3A_3  : i32 {
      %mul3A_13 = arith.constant 1 : i32
      %mul3A_14 = arith.muli %scan3A_12, %mul3A_13 : i32
      %add3A_15 = arith.constant 0 : i32
      %add3A_16 = arith.addi %add3A_15, %mul3A_14 : i32
      %mul3A_17 = arith.constant 208 : i32
      %mul3A_18 = arith.muli %add3A_16, %mul3A_17 : i32
      %mul3A_19 = arith.constant 224 : i32
      %mul3A_20 = arith.muli %add3A_16, %mul3A_19 : i32
      %get3A = arith.constant 0 : index
      %get3A_21 = tpu.vector_load %arg9[%get3A] {strides = array<i32>} : memref<224xi32, #tpu.memory_space<vmem>>, vector<16xi32>,
      %add3A_22 = vector.broadcast %mul3A_18 : i32 to vector<16xi32>
      %add3A_23 = arith.addi %get3A_21, %add3A_22 : vector<16xi32>
      %gather3A = tpu.vector_load_idx %arg7[%add3A_23] : memref<41600xi32, #tpu.memory_space<vmem>>[vector<16xi32>], vector<16xi32>,
      %mul3A_24 = arith.constant 4 : i32
      %mul3A_25 = vector.broadcast %mul3A_24 : i32 to vector<16xi32>
      %mul3A_26 = arith.muli %gather3A, %mul3A_25 : vector<16xi32>
      %get3A_27 = arith.constant 0 : index
      %get3A_28 = tpu.vector_load %arg10[%get3A_27] {strides = array<i32>} : memref<224xi32, #tpu.memory_space<vmem>>, vector<16xi32>,
      %add3A_29 = arith.addi %mul3A_26, %get3A_28 : vector<16xi32>
      %add3A_30 = arith.constant 0 : i32
      %add3A_31 = arith.addi %mul3A_20, %add3A_30 : i32
      %swap3A = arith.index_cast %add3A_31 : i32 to index
      %swap3A_32 = tpu.vector_load %arg8[%swap3A] {strides = array<i32>} : memref<44800xi32, #tpu.memory_space<vmem>>, vector<16xi32>,
      tpu.vector_store %arg8[%swap3A], %add3A_29 {strides = array<i32>} : memref<44800xi32, #tpu.memory_space<vmem>>, vector<16xi32>,
      %get3A_33 = arith.constant 16 : index
      %get3A_34 = tpu.vector_load %arg9[%get3A_33] {strides = array<i32>} : memref<224xi32, #tpu.memory_space<vmem>>, vector<16xi32>,
      %add3A_35 = vector.broadcast %mul3A_18 : i32 to vector<16xi32>
      %add3A_36 = arith.addi %get3A_34, %add3A_35 : vector<16xi32>
      %gather3A_37 = tpu.vector_load_idx %arg7[%add3A_36] : memref<41600xi32, #tpu.memory_space<vmem>>[vector<16xi32>], vector<16xi32>,
      %mul3A_38 = arith.constant 4 : i32
      %mul3A_39 = vector.broadcast %mul3A_38 : i32 to vector<16xi32>
      %mul3A_40 = arith.muli %gather3A_37, %mul3A_39 : vector<16xi32>
      %get3A_41 = arith.constant 16 : index
      %get3A_42 = tpu.vector_load %arg10[%get3A_41] {strides = array<i32>} : memref<224xi32, #tpu.memory_space<vmem>>, vector<16xi32>,
      %add3A_43 = arith.addi %mul3A_40, %get3A_42 : vector<16xi32>
      %add3A_44 = arith.constant 16 : i32
      %add3A_45 = arith.addi %mul3A_20, %add3A_44 : i32
      %swap3A_46 = arith.index_cast %add3A_45 : i32 to index
      %swap3A_47 = tpu.vector_load %arg8[%swap3A_46] {strides = array<i32>} : memref<44800xi32, #tpu.memory_space<vmem>>, vector<16xi32>,
      tpu.vector_store %arg8[%swap3A_46], %add3A_43 {strides = array<i32>} : memref<44800xi32, #tpu.memory_space<vmem>>, vector<16xi32>,
      %get3A_48 = arith.constant 32 : index
      %get3A_49 = tpu.vector_load %arg9[%get3A_48] {strides = array<i32>} : memref<224xi32, #tpu.memory_space<vmem>>, vector<16xi32>,
      %add3A_50 = vector.broadcast %mul3A_18 : i32 to vector<16xi32>
      %add3A_51 = arith.addi %get3A_49, %add3A_50 : vector<16xi32>
      %gather3A_52 = tpu.vector_load_idx %arg7[%add3A_51] : memref<41600xi32, #tpu.memory_space<vmem>>[vector<16xi32>], vector<16xi32>,
      %mul3A_53 = arith.constant 4 : i32
      %mul3A_54 = vector.broadcast %mul3A_53 : i32 to vector<16xi32>
      %mul3A_55 = arith.muli %gather3A_52, %mul3A_54 : vector<16xi32>
      %get3A_56 = arith.constant 32 : index
      %get3A_57 = tpu.vector_load %arg10[%get3A_56] {strides = array<i32>} : memref<224xi32, #tpu.memory_space<vmem>>, vector<16xi32>,
      %add3A_58 = arith.addi %mul3A_55, %get3A_57 : vector<16xi32>
      %add3A_59 = arith.constant 32 : i32
      %add3A_60 = arith.addi %mul3A_20, %add3A_59 : i32
      %swap3A_61 = arith.index_cast %add3A_60 : i32 to index
      %swap3A_62 = tpu.vector_load %arg8[%swap3A_61] {strides = array<i32>} : memref<44800xi32, #tpu.memory_space<vmem>>, vector<16xi32>,
      tpu.vector_store %arg8[%swap3A_61], %add3A_58 {strides = array<i32>} : memref<44800xi32, #tpu.memory_space<vmem>>, vector<16xi32>,
      %get3A_63 = arith.constant 48 : index
      %get3A_64 = tpu.vector_load %arg9[%get3A_63] {strides = array<i32>} : memref<224xi32, #tpu.memory_space<vmem>>, vector<16xi32>,
      %add3A_65 = vector.broadcast %mul3A_18 : i32 to vector<16xi32>
      %add3A_66 = arith.addi %get3A_64, %add3A_65 : vector<16xi32>
      %gather3A_67 = tpu.vector_load_idx %arg7[%add3A_66] : memref<41600xi32, #tpu.memory_space<vmem>>[vector<16xi32>], vector<16xi32>,
      %mul3A_68 = arith.constant 4 : i32
      %mul3A_69 = vector.broadcast %mul3A_68 : i32 to vector<16xi32>
      %mul3A_70 = arith.muli %gather3A_67, %mul3A_69 : vector<16xi32>
      %get3A_71 = arith.constant 48 : index
      %get3A_72 = tpu.vector_load %arg10[%get3A_71] {strides = array<i32>} : memref<224xi32, #tpu.memory_space<vmem>>, vector<16xi32>,
      %add3A_73 = arith.addi %mul3A_70, %get3A_72 : vector<16xi32>
      %add3A_74 = arith.constant 48 : i32
      %add3A_75 = arith.addi %mul3A_20, %add3A_74 : i32
      %swap3A_76 = arith.index_cast %add3A_75 : i32 to index
      %swap3A_77 = tpu.vector_load %arg8[%swap3A_76] {strides = array<i32>} : memref<44800xi32, #tpu.memory_space<vmem>>, vector<16xi32>,
      tpu.vector_store %arg8[%swap3A_76], %add3A_73 {strides = array<i32>} : memref<44800xi32, #tpu.memory_space<vmem>>, vector<16xi32>,
      %get3A_78 = arith.constant 64 : index
      %get3A_79 = tpu.vector_load %arg9[%get3A_78] {strides = array<i32>} : memref<224xi32, #tpu.memory_space<vmem>>, vector<16xi32>,
      %add3A_80 = vector.broadcast %mul3A_18 : i32 to vector<16xi32>
      %add3A_81 = arith.addi %get3A_79, %add3A_80 : vector<16xi32>
      %gather3A_82 = tpu.vector_load_idx %arg7[%add3A_81] : memref<41600xi32, #tpu.memory_space<vmem>>[vector<16xi32>], vector<16xi32>,
      %mul3A_83 = arith.constant 4 : i32
      %mul3A_84 = vector.broadcast %mul3A_83 : i32 to vector<16xi32>
      %mul3A_85 = arith.muli %gather3A_82, %mul3A_84 : vector<16xi32>
      %get3A_86 = arith.constant 64 : index
      %get3A_87 = tpu.vector_load %arg10[%get3A_86] {strides = array<i32>} : memref<224xi32, #tpu.memory_space<vmem>>, vector<16xi32>,
      %add3A_88 = arith.addi %mul3A_85, %get3A_87 : vector<16xi32>
      %add3A_89 = arith.constant 64 : i32
      %add3A_90 = arith.addi %mul3A_20, %add3A_89 : i32
      %swap3A_91 = arith.index_cast %add3A_90 : i32 to index
      %swap3A_92 = tpu.vector_load %arg8[%swap3A_91] {strides = array<i32>} : memref<44800xi32, #tpu.memory_space<vmem>>, vector<16xi32>,
      tpu.vector_store %arg8[%swap3A_91], %add3A_88 {strides = array<i32>} : memref<44800xi32, #tpu.memory_space<vmem>>, vector<16xi32>,
      %get3A_93 = arith.constant 80 : index
      %get3A_94 = tpu.vector_load %arg9[%get3A_93] {strides = array<i32>} : memref<224xi32, #tpu.memory_space<vmem>>, vector<16xi32>,
      %add3A_95 = vector.broadcast %mul3A_18 : i32 to vector<16xi32>
      %add3A_96 = arith.addi %get3A_94, %add3A_95 : vector<16xi32>
      %gather3A_97 = tpu.vector_load_idx %arg7[%add3A_96] : memref<41600xi32, #tpu.memory_space<vmem>>[vector<16xi32>], vector<16xi32>,
      %mul3A_98 = arith.constant 4 : i32
      %mul3A_99 = vector.broadcast %mul3A_98 : i32 to vector<16xi32>
      %mul3A_100 = arith.muli %gather3A_97, %mul3A_99 : vector<16xi32>
      %get3A_101 = arith.constant 80 : index
      %get3A_102 = tpu.vector_load %arg10[%get3A_101] {strides = array<i32>} : memref<224xi32, #tpu.memory_space<vmem>>, vector<16xi32>,
      %add3A_103 = arith.addi %mul3A_100, %get3A_102 : vector<16xi32>
      %add3A_104 = arith.constant 80 : i32
      %add3A_105 = arith.addi %mul3A_20, %add3A_104 : i32
      %swap3A_106 = arith.index_cast %add3A_105 : i32 to index
      %swap3A_107 = tpu.vector_load %arg8[%swap3A_106] {strides = array<i32>} : memref<44800xi32, #tpu.memory_space<vmem>>, vector<16xi32>,
      tpu.vector_store %arg8[%swap3A_106], %add3A_103 {strides = array<i32>} : memref<44800xi32, #tpu.memory_space<vmem>>, vector<16xi32>,
      %get3A_108 = arith.constant 96 : index
      %get3A_109 = tpu.vector_load %arg9[%get3A_108] {strides = array<i32>} : memref<224xi32, #tpu.memory_space<vmem>>, vector<16xi32>,
      %add3A_110 = vector.broadcast %mul3A_18 : i32 to vector<16xi32>
      %add3A_111 = arith.addi %get3A_109, %add3A_110 : vector<16xi32>
      %gather3A_112 = tpu.vector_load_idx %arg7[%add3A_111] : memref<41600xi32, #tpu.memory_space<vmem>>[vector<16xi32>], vector<16xi32>,
      %mul3A_113 = arith.constant 4 : i32
      %mul3A_114 = vector.broadcast %mul3A_113 : i32 to vector<16xi32>
      %mul3A_115 = arith.muli %gather3A_112, %mul3A_114 : vector<16xi32>
      %get3A_116 = arith.constant 96 : index
      %get3A_117 = tpu.vector_load %arg10[%get3A_116] {strides = array<i32>} : memref<224xi32, #tpu.memory_space<vmem>>, vector<16xi32>,
      %add3A_118 = arith.addi %mul3A_115, %get3A_117 : vector<16xi32>
      %add3A_119 = arith.constant 96 : i32
      %add3A_120 = arith.addi %mul3A_20, %add3A_119 : i32
      %swap3A_121 = arith.index_cast %add3A_120 : i32 to index
      %swap3A_122 = tpu.vector_load %arg8[%swap3A_121] {strides = array<i32>} : memref<44800xi32, #tpu.memory_space<vmem>>, vector<16xi32>,
      tpu.vector_store %arg8[%swap3A_121], %add3A_118 {strides = array<i32>} : memref<44800xi32, #tpu.memory_space<vmem>>, vector<16xi32>,
      %get3A_123 = arith.constant 112 : index
      %get3A_124 = tpu.vector_load %arg9[%get3A_123] {strides = array<i32>} : memref<224xi32, #tpu.memory_space<vmem>>, vector<16xi32>,
      %add3A_125 = vector.broadcast %mul3A_18 : i32 to vector<16xi32>
      %add3A_126 = arith.addi %get3A_124, %add3A_125 : vector<16xi32>
      %gather3A_127 = tpu.vector_load_idx %arg7[%add3A_126] : memref<41600xi32, #tpu.memory_space<vmem>>[vector<16xi32>], vector<16xi32>,
      %mul3A_128 = arith.constant 4 : i32
      %mul3A_129 = vector.broadcast %mul3A_128 : i32 to vector<16xi32>
      %mul3A_130 = arith.muli %gather3A_127, %mul3A_129 : vector<16xi32>
      %get3A_131 = arith.constant 112 : index
      %get3A_132 = tpu.vector_load %arg10[%get3A_131] {strides = array<i32>} : memref<224xi32, #tpu.memory_space<vmem>>, vector<16xi32>,
      %add3A_133 = arith.addi %mul3A_130, %get3A_132 : vector<16xi32>
      %add3A_134 = arith.constant 112 : i32
      %add3A_135 = arith.addi %mul3A_20, %add3A_134 : i32
      %swap3A_136 = arith.index_cast %add3A_135 : i32 to index
      %swap3A_137 = tpu.vector_load %arg8[%swap3A_136] {strides = array<i32>} : memref<44800xi32, #tpu.memory_space<vmem>>, vector<16xi32>,
      tpu.vector_store %arg8[%swap3A_136], %add3A_133 {strides = array<i32>} : memref<44800xi32, #tpu.memory_space<vmem>>, vector<16xi32>,
      %get3A_138 = arith.constant 128 : index
      %get3A_139 = tpu.vector_load %arg9[%get3A_138] {strides = array<i32>} : memref<224xi32, #tpu.memory_space<vmem>>, vector<16xi32>,
      %add3A_140 = vector.broadcast %mul3A_18 : i32 to vector<16xi32>
      %add3A_141 = arith.addi %get3A_139, %add3A_140 : vector<16xi32>
      %gather3A_142 = tpu.vector_load_idx %arg7[%add3A_141] : memref<41600xi32, #tpu.memory_space<vmem>>[vector<16xi32>], vector<16xi32>,
      %mul3A_143 = arith.constant 4 : i32
      %mul3A_144 = vector.broadcast %mul3A_143 : i32 to vector<16xi32>
      %mul3A_145 = arith.muli %gather3A_142, %mul3A_144 : vector<16xi32>
      %get3A_146 = arith.constant 128 : index
      %get3A_147 = tpu.vector_load %arg10[%get3A_146] {strides = array<i32>} : memref<224xi32, #tpu.memory_space<vmem>>, vector<16xi32>,
      %add3A_148 = arith.addi %mul3A_145, %get3A_147 : vector<16xi32>
      %add3A_149 = arith.constant 128 : i32
      %add3A_150 = arith.addi %mul3A_20, %add3A_149 : i32
      %swap3A_151 = arith.index_cast %add3A_150 : i32 to index
      %swap3A_152 = tpu.vector_load %arg8[%swap3A_151] {strides = array<i32>} : memref<44800xi32, #tpu.memory_space<vmem>>, vector<16xi32>,
      tpu.vector_store %arg8[%swap3A_151], %add3A_148 {strides = array<i32>} : memref<44800xi32, #tpu.memory_space<vmem>>, vector<16xi32>,
      %get3A_153 = arith.constant 144 : index
      %get3A_154 = tpu.vector_load %arg9[%get3A_153] {strides = array<i32>} : memref<224xi32, #tpu.memory_space<vmem>>, vector<16xi32>,
      %add3A_155 = vector.broadcast %mul3A_18 : i32 to vector<16xi32>
      %add3A_156 = arith.addi %get3A_154, %add3A_155 : vector<16xi32>
      %gather3A_157 = tpu.vector_load_idx %arg7[%add3A_156] : memref<41600xi32, #tpu.memory_space<vmem>>[vector<16xi32>], vector<16xi32>,
      %mul3A_158 = arith.constant 4 : i32
      %mul3A_159 = vector.broadcast %mul3A_158 : i32 to vector<16xi32>
      %mul3A_160 = arith.muli %gather3A_157, %mul3A_159 : vector<16xi32>
      %get3A_161 = arith.constant 144 : index
      %get3A_162 = tpu.vector_load %arg10[%get3A_161] {strides = array<i32>} : memref<224xi32, #tpu.memory_space<vmem>>, vector<16xi32>,
      %add3A_163 = arith.addi %mul3A_160, %get3A_162 : vector<16xi32>
      %add3A_164 = arith.constant 144 : i32
      %add3A_165 = arith.addi %mul3A_20, %add3A_164 : i32
      %swap3A_166 = arith.index_cast %add3A_165 : i32 to index
      %swap3A_167 = tpu.vector_load %arg8[%swap3A_166] {strides = array<i32>} : memref<44800xi32, #tpu.memory_space<vmem>>, vector<16xi32>,
      tpu.vector_store %arg8[%swap3A_166], %add3A_163 {strides = array<i32>} : memref<44800xi32, #tpu.memory_space<vmem>>, vector<16xi32>,
      %get3A_168 = arith.constant 160 : index
      %get3A_169 = tpu.vector_load %arg9[%get3A_168] {strides = array<i32>} : memref<224xi32, #tpu.memory_space<vmem>>, vector<16xi32>,
      %add3A_170 = vector.broadcast %mul3A_18 : i32 to vector<16xi32>
      %add3A_171 = arith.addi %get3A_169, %add3A_170 : vector<16xi32>
      %gather3A_172 = tpu.vector_load_idx %arg7[%add3A_171] : memref<41600xi32, #tpu.memory_space<vmem>>[vector<16xi32>], vector<16xi32>,
      %mul3A_173 = arith.constant 4 : i32
      %mul3A_174 = vector.broadcast %mul3A_173 : i32 to vector<16xi32>
      %mul3A_175 = arith.muli %gather3A_172, %mul3A_174 : vector<16xi32>
      %get3A_176 = arith.constant 160 : index
      %get3A_177 = tpu.vector_load %arg10[%get3A_176] {strides = array<i32>} : memref<224xi32, #tpu.memory_space<vmem>>, vector<16xi32>,
      %add3A_178 = arith.addi %mul3A_175, %get3A_177 : vector<16xi32>
      %add3A_179 = arith.constant 160 : i32
      %add3A_180 = arith.addi %mul3A_20, %add3A_179 : i32
      %swap3A_181 = arith.index_cast %add3A_180 : i32 to index
      %swap3A_182 = tpu.vector_load %arg8[%swap3A_181] {strides = array<i32>} : memref<44800xi32, #tpu.memory_space<vmem>>, vector<16xi32>,
      tpu.vector_store %arg8[%swap3A_181], %add3A_178 {strides = array<i32>} : memref<44800xi32, #tpu.memory_space<vmem>>, vector<16xi32>,
      %get3A_183 = arith.constant 176 : index
      %get3A_184 = tpu.vector_load %arg9[%get3A_183] {strides = array<i32>} : memref<224xi32, #tpu.memory_space<vmem>>, vector<16xi32>,
      %add3A_185 = vector.broadcast %mul3A_18 : i32 to vector<16xi32>
      %add3A_186 = arith.addi %get3A_184, %add3A_185 : vector<16xi32>
      %gather3A_187 = tpu.vector_load_idx %arg7[%add3A_186] : memref<41600xi32, #tpu.memory_space<vmem>>[vector<16xi32>], vector<16xi32>,
      %mul3A_188 = arith.constant 4 : i32
      %mul3A_189 = vector.broadcast %mul3A_188 : i32 to vector<16xi32>
      %mul3A_190 = arith.muli %gather3A_187, %mul3A_189 : vector<16xi32>
      %get3A_191 = arith.constant 176 : index
      %get3A_192 = tpu.vector_load %arg10[%get3A_191] {strides = array<i32>} : memref<224xi32, #tpu.memory_space<vmem>>, vector<16xi32>,
      %add3A_193 = arith.addi %mul3A_190, %get3A_192 : vector<16xi32>
      %add3A_194 = arith.constant 176 : i32
      %add3A_195 = arith.addi %mul3A_20, %add3A_194 : i32
      %swap3A_196 = arith.index_cast %add3A_195 : i32 to index
      %swap3A_197 = tpu.vector_load %arg8[%swap3A_196] {strides = array<i32>} : memref<44800xi32, #tpu.memory_space<vmem>>, vector<16xi32>,
      tpu.vector_store %arg8[%swap3A_196], %add3A_193 {strides = array<i32>} : memref<44800xi32, #tpu.memory_space<vmem>>, vector<16xi32>,
      %get3A_198 = arith.constant 192 : index
      %get3A_199 = tpu.vector_load %arg9[%get3A_198] {strides = array<i32>} : memref<224xi32, #tpu.memory_space<vmem>>, vector<16xi32>,
      %add3A_200 = vector.broadcast %mul3A_18 : i32 to vector<16xi32>
      %add3A_201 = arith.addi %get3A_199, %add3A_200 : vector<16xi32>
      %gather3A_202 = tpu.vector_load_idx %arg7[%add3A_201] : memref<41600xi32, #tpu.memory_space<vmem>>[vector<16xi32>], vector<16xi32>,
      %mul3A_203 = arith.constant 4 : i32
      %mul3A_204 = vector.broadcast %mul3A_203 : i32 to vector<16xi32>
      %mul3A_205 = arith.muli %gather3A_202, %mul3A_204 : vector<16xi32>
      %get3A_206 = arith.constant 192 : index
      %get3A_207 = tpu.vector_load %arg10[%get3A_206] {strides = array<i32>} : memref<224xi32, #tpu.memory_space<vmem>>, vector<16xi32>,
      %add3A_208 = arith.addi %mul3A_205, %get3A_207 : vector<16xi32>
      %add3A_209 = arith.constant 192 : i32
      %add3A_210 = arith.addi %mul3A_20, %add3A_209 : i32
      %swap3A_211 = arith.index_cast %add3A_210 : i32 to index
      %swap3A_212 = tpu.vector_load %arg8[%swap3A_211] {strides = array<i32>} : memref<44800xi32, #tpu.memory_space<vmem>>, vector<16xi32>,
      tpu.vector_store %arg8[%swap3A_211], %add3A_208 {strides = array<i32>} : memref<44800xi32, #tpu.memory_space<vmem>>, vector<16xi32>,
      %get3A_213 = arith.constant 208 : index
      %get3A_214 = tpu.vector_load %arg9[%get3A_213] {strides = array<i32>} : memref<224xi32, #tpu.memory_space<vmem>>, vector<16xi32>,
      %add3A_215 = vector.broadcast %mul3A_18 : i32 to vector<16xi32>
      %add3A_216 = arith.addi %get3A_214, %add3A_215 : vector<16xi32>
      %gather3A_217 = tpu.vector_load_idx %arg7[%add3A_216] : memref<41600xi32, #tpu.memory_space<vmem>>[vector<16xi32>], vector<16xi32>,
      %mul3A_218 = arith.constant 4 : i32
      %mul3A_219 = vector.broadcast %mul3A_218 : i32 to vector<16xi32>
      %mul3A_220 = arith.muli %gather3A_217, %mul3A_219 : vector<16xi32>
      %get3A_221 = arith.constant 208 : index
      %get3A_222 = tpu.vector_load %arg10[%get3A_221] {strides = array<i32>} : memref<224xi32, #tpu.memory_space<vmem>>, vector<16xi32>,
      %add3A_223 = arith.addi %mul3A_220, %get3A_222 : vector<16xi32>
      %add3A_224 = arith.constant 208 : i32
      %add3A_225 = arith.addi %mul3A_20, %add3A_224 : i32
      %swap3A_226 = arith.index_cast %add3A_225 : i32 to index
      %swap3A_227 = tpu.vector_load %arg8[%swap3A_226] {strides = array<i32>} : memref<44800xi32, #tpu.memory_space<vmem>>, vector<16xi32>,
      tpu.vector_store %arg8[%swap3A_226], %add3A_223 {strides = array<i32>} : memref<44800xi32, #tpu.memory_space<vmem>>, vector<16xi32>,
    }
    %scan3A_4 = arith.constant 200 : i32
    %mul3A_5 = arith.constant 44800 : i32
    %mul3A_6 = arith.muli %add3A, %mul3A_5 : i32
    %scan3A_7 = arith.constant 0 : i32
    %scan3A_8 = arith.constant 35 : i32
    %scan3A_9 = arith.addi %scan3A_7, %scan3A_8 : i32
    %scan3A_10 = arith.constant 1 : i32
    scf.for %scan3A_12 = %scan3A_7 to %scan3A_9 step %scan3A_10  : i32 {
      %mul3A_13 = arith.constant 1 : i32
      %mul3A_14 = arith.muli %scan3A_12, %mul3A_13 : i32
      %add3A_15 = arith.constant 0 : i32
      %add3A_16 = arith.addi %add3A_15, %mul3A_14 : i32
      %mul3A_17 = arith.constant 10 : i32
      %mul3A_18 = arith.muli %add3A_16, %mul3A_17 : i32
      %add3A_19 = arith.constant 0 : i32
      %add3A_20 = arith.addi %mul3A_18, %add3A_19 : i32
      %mul3A_21 = arith.constant 128 : i32
      %mul3A_22 = arith.muli %add3A_20, %mul3A_21 : i32
      %dma_start3A = arith.constant 0 : i32
      %dma_start3A_23 = arith.constant 0 : i32
      %dma_start3A_24 = tpu.memref_slice %arg11[%dma_start3A, %dma_start3A_23] : memref<1280x32xf32, #tpu.memory_space<vmem>> -> memref<128x32xf32, #tpu.memory_space<vmem>>
      %dma_start3A_25 = tpu.memref_slice %arg8[%mul3A_22] : memref<44800xi32, #tpu.memory_space<vmem>> -> memref<128xi32, #tpu.memory_space<vmem>>
      %dma_start3A_26 = arith.constant 0 : i32
      %dma_start3A_27 = arith.constant 0 : i32
      %dma_start3A_28 = tpu.memref_slice %arg3[%dma_start3A_26, %dma_start3A_27] : memref<10400000x32xf32, #tpu.memory_space<hbm>> -> memref<10400000x32xf32, #tpu.memory_space<hbm>>
      tpu.enqueue_indirect_dma source(%dma_start3A_28 : memref<10400000x32xf32, #tpu.memory_space<hbm>>) target(%dma_start3A_24 : memref<128x32xf32, #tpu.memory_space<vmem>>) offsets(%dma_start3A_25 : memref<128xi32, #tpu.memory_space<vmem>>) semaphore(%arg12 : memref<!tpu.dma_semaphore, #tpu.memory_space<semaphore_mem>>)
      %mul3A_29 = arith.constant 10 : i32
      %mul3A_30 = arith.muli %add3A_16, %mul3A_29 : i32
      %add3A_31 = arith.constant 1 : i32
      %add3A_32 = arith.addi %mul3A_30, %add3A_31 : i32
      %mul3A_33 = arith.constant 128 : i32
      %mul3A_34 = arith.muli %add3A_32, %mul3A_33 : i32
      %dma_start3A_35 = arith.constant 128 : i32
      %dma_start3A_36 = arith.constant 0 : i32
      %dma_start3A_37 = tpu.memref_slice %arg11[%dma_start3A_35, %dma_start3A_36] : memref<1280x32xf32, #tpu.memory_space<vmem>> -> memref<128x32xf32, #tpu.memory_space<vmem>>
      %dma_start3A_38 = tpu.memref_slice %arg8[%mul3A_34] : memref<44800xi32, #tpu.memory_space<vmem>> -> memref<128xi32, #tpu.memory_space<vmem>>
      %dma_start3A_39 = arith.constant 0 : i32
      %dma_start3A_40 = arith.constant 0 : i32
      %dma_start3A_41 = tpu.memref_slice %arg3[%dma_start3A_39, %dma_start3A_40] : memref<10400000x32xf32, #tpu.memory_space<hbm>> -> memref<10400000x32xf32, #tpu.memory_space<hbm>>
      tpu.enqueue_indirect_dma source(%dma_start3A_41 : memref<10400000x32xf32, #tpu.memory_space<hbm>>) target(%dma_start3A_37 : memref<128x32xf32, #tpu.memory_space<vmem>>) offsets(%dma_start3A_38 : memref<128xi32, #tpu.memory_space<vmem>>) semaphore(%arg12 : memref<!tpu.dma_semaphore, #tpu.memory_space<semaphore_mem>>)
      %mul3A_42 = arith.constant 10 : i32
      %mul3A_43 = arith.muli %add3A_16, %mul3A_42 : i32
      %add3A_44 = arith.constant 2 : i32
      %add3A_45 = arith.addi %mul3A_43, %add3A_44 : i32
      %mul3A_46 = arith.constant 128 : i32
      %mul3A_47 = arith.muli %add3A_45, %mul3A_46 : i32
      %dma_start3A_48 = arith.constant 256 : i32
      %dma_start3A_49 = arith.constant 0 : i32
      %dma_start3A_50 = tpu.memref_slice %arg11[%dma_start3A_48, %dma_start3A_49] : memref<1280x32xf32, #tpu.memory_space<vmem>> -> memref<128x32xf32, #tpu.memory_space<vmem>>
      %dma_start3A_51 = tpu.memref_slice %arg8[%mul3A_47] : memref<44800xi32, #tpu.memory_space<vmem>> -> memref<128xi32, #tpu.memory_space<vmem>>
      %dma_start3A_52 = arith.constant 0 : i32
      %dma_start3A_53 = arith.constant 0 : i32
      %dma_start3A_54 = tpu.memref_slice %arg3[%dma_start3A_52, %dma_start3A_53] : memref<10400000x32xf32, #tpu.memory_space<hbm>> -> memref<10400000x32xf32, #tpu.memory_space<hbm>>
      tpu.enqueue_indirect_dma source(%dma_start3A_54 : memref<10400000x32xf32, #tpu.memory_space<hbm>>) target(%dma_start3A_50 : memref<128x32xf32, #tpu.memory_space<vmem>>) offsets(%dma_start3A_51 : memref<128xi32, #tpu.memory_space<vmem>>) semaphore(%arg12 : memref<!tpu.dma_semaphore, #tpu.memory_space<semaphore_mem>>)
      %mul3A_55 = arith.constant 10 : i32
      %mul3A_56 = arith.muli %add3A_16, %mul3A_55 : i32
      %add3A_57 = arith.constant 3 : i32
      %add3A_58 = arith.addi %mul3A_56, %add3A_57 : i32
      %mul3A_59 = arith.constant 128 : i32
      %mul3A_60 = arith.muli %add3A_58, %mul3A_59 : i32
      %dma_start3A_61 = arith.constant 384 : i32
      %dma_start3A_62 = arith.constant 0 : i32
      %dma_start3A_63 = tpu.memref_slice %arg11[%dma_start3A_61, %dma_start3A_62] : memref<1280x32xf32, #tpu.memory_space<vmem>> -> memref<128x32xf32, #tpu.memory_space<vmem>>
      %dma_start3A_64 = tpu.memref_slice %arg8[%mul3A_60] : memref<44800xi32, #tpu.memory_space<vmem>> -> memref<128xi32, #tpu.memory_space<vmem>>
      %dma_start3A_65 = arith.constant 0 : i32
      %dma_start3A_66 = arith.constant 0 : i32
      %dma_start3A_67 = tpu.memref_slice %arg3[%dma_start3A_65, %dma_start3A_66] : memref<10400000x32xf32, #tpu.memory_space<hbm>> -> memref<10400000x32xf32, #tpu.memory_space<hbm>>
      tpu.enqueue_indirect_dma source(%dma_start3A_67 : memref<10400000x32xf32, #tpu.memory_space<hbm>>) target(%dma_start3A_63 : memref<128x32xf32, #tpu.memory_space<vmem>>) offsets(%dma_start3A_64 : memref<128xi32, #tpu.memory_space<vmem>>) semaphore(%arg12 : memref<!tpu.dma_semaphore, #tpu.memory_space<semaphore_mem>>)
      %mul3A_68 = arith.constant 10 : i32
      %mul3A_69 = arith.muli %add3A_16, %mul3A_68 : i32
      %add3A_70 = arith.constant 4 : i32
      %add3A_71 = arith.addi %mul3A_69, %add3A_70 : i32
      %mul3A_72 = arith.constant 128 : i32
      %mul3A_73 = arith.muli %add3A_71, %mul3A_72 : i32
      %dma_start3A_74 = arith.constant 512 : i32
      %dma_start3A_75 = arith.constant 0 : i32
      %dma_start3A_76 = tpu.memref_slice %arg11[%dma_start3A_74, %dma_start3A_75] : memref<1280x32xf32, #tpu.memory_space<vmem>> -> memref<128x32xf32, #tpu.memory_space<vmem>>
      %dma_start3A_77 = tpu.memref_slice %arg8[%mul3A_73] : memref<44800xi32, #tpu.memory_space<vmem>> -> memref<128xi32, #tpu.memory_space<vmem>>
      %dma_start3A_78 = arith.constant 0 : i32
      %dma_start3A_79 = arith.constant 0 : i32
      %dma_start3A_80 = tpu.memref_slice %arg3[%dma_start3A_78, %dma_start3A_79] : memref<10400000x32xf32, #tpu.memory_space<hbm>> -> memref<10400000x32xf32, #tpu.memory_space<hbm>>
      tpu.enqueue_indirect_dma source(%dma_start3A_80 : memref<10400000x32xf32, #tpu.memory_space<hbm>>) target(%dma_start3A_76 : memref<128x32xf32, #tpu.memory_space<vmem>>) offsets(%dma_start3A_77 : memref<128xi32, #tpu.memory_space<vmem>>) semaphore(%arg12 : memref<!tpu.dma_semaphore, #tpu.memory_space<semaphore_mem>>)
      %mul3A_81 = arith.constant 10 : i32
      %mul3A_82 = arith.muli %add3A_16, %mul3A_81 : i32
      %add3A_83 = arith.constant 5 : i32
      %add3A_84 = arith.addi %mul3A_82, %add3A_83 : i32
      %mul3A_85 = arith.constant 128 : i32
      %mul3A_86 = arith.muli %add3A_84, %mul3A_85 : i32
      %dma_start3A_87 = arith.constant 640 : i32
      %dma_start3A_88 = arith.constant 0 : i32
      %dma_start3A_89 = tpu.memref_slice %arg11[%dma_start3A_87, %dma_start3A_88] : memref<1280x32xf32, #tpu.memory_space<vmem>> -> memref<128x32xf32, #tpu.memory_space<vmem>>
      %dma_start3A_90 = tpu.memref_slice %arg8[%mul3A_86] : memref<44800xi32, #tpu.memory_space<vmem>> -> memref<128xi32, #tpu.memory_space<vmem>>
      %dma_start3A_91 = arith.constant 0 : i32
      %dma_start3A_92 = arith.constant 0 : i32
      %dma_start3A_93 = tpu.memref_slice %arg3[%dma_start3A_91, %dma_start3A_92] : memref<10400000x32xf32, #tpu.memory_space<hbm>> -> memref<10400000x32xf32, #tpu.memory_space<hbm>>
      tpu.enqueue_indirect_dma source(%dma_start3A_93 : memref<10400000x32xf32, #tpu.memory_space<hbm>>) target(%dma_start3A_89 : memref<128x32xf32, #tpu.memory_space<vmem>>) offsets(%dma_start3A_90 : memref<128xi32, #tpu.memory_space<vmem>>) semaphore(%arg12 : memref<!tpu.dma_semaphore, #tpu.memory_space<semaphore_mem>>)
      %mul3A_94 = arith.constant 10 : i32
      %mul3A_95 = arith.muli %add3A_16, %mul3A_94 : i32
      %add3A_96 = arith.constant 6 : i32
      %add3A_97 = arith.addi %mul3A_95, %add3A_96 : i32
      %mul3A_98 = arith.constant 128 : i32
      %mul3A_99 = arith.muli %add3A_97, %mul3A_98 : i32
      %dma_start3A_100 = arith.constant 768 : i32
      %dma_start3A_101 = arith.constant 0 : i32
      %dma_start3A_102 = tpu.memref_slice %arg11[%dma_start3A_100, %dma_start3A_101] : memref<1280x32xf32, #tpu.memory_space<vmem>> -> memref<128x32xf32, #tpu.memory_space<vmem>>
      %dma_start3A_103 = tpu.memref_slice %arg8[%mul3A_99] : memref<44800xi32, #tpu.memory_space<vmem>> -> memref<128xi32, #tpu.memory_space<vmem>>
      %dma_start3A_104 = arith.constant 0 : i32
      %dma_start3A_105 = arith.constant 0 : i32
      %dma_start3A_106 = tpu.memref_slice %arg3[%dma_start3A_104, %dma_start3A_105] : memref<10400000x32xf32, #tpu.memory_space<hbm>> -> memref<10400000x32xf32, #tpu.memory_space<hbm>>
      tpu.enqueue_indirect_dma source(%dma_start3A_106 : memref<10400000x32xf32, #tpu.memory_space<hbm>>) target(%dma_start3A_102 : memref<128x32xf32, #tpu.memory_space<vmem>>) offsets(%dma_start3A_103 : memref<128xi32, #tpu.memory_space<vmem>>) semaphore(%arg12 : memref<!tpu.dma_semaphore, #tpu.memory_space<semaphore_mem>>)
      %mul3A_107 = arith.constant 10 : i32
      %mul3A_108 = arith.muli %add3A_16, %mul3A_107 : i32
      %add3A_109 = arith.constant 7 : i32
      %add3A_110 = arith.addi %mul3A_108, %add3A_109 : i32
      %mul3A_111 = arith.constant 128 : i32
      %mul3A_112 = arith.muli %add3A_110, %mul3A_111 : i32
      %dma_start3A_113 = arith.constant 896 : i32
      %dma_start3A_114 = arith.constant 0 : i32
      %dma_start3A_115 = tpu.memref_slice %arg11[%dma_start3A_113, %dma_start3A_114] : memref<1280x32xf32, #tpu.memory_space<vmem>> -> memref<128x32xf32, #tpu.memory_space<vmem>>
      %dma_start3A_116 = tpu.memref_slice %arg8[%mul3A_112] : memref<44800xi32, #tpu.memory_space<vmem>> -> memref<128xi32, #tpu.memory_space<vmem>>
      %dma_start3A_117 = arith.constant 0 : i32
      %dma_start3A_118 = arith.constant 0 : i32
      %dma_start3A_119 = tpu.memref_slice %arg3[%dma_start3A_117, %dma_start3A_118] : memref<10400000x32xf32, #tpu.memory_space<hbm>> -> memref<10400000x32xf32, #tpu.memory_space<hbm>>
      tpu.enqueue_indirect_dma source(%dma_start3A_119 : memref<10400000x32xf32, #tpu.memory_space<hbm>>) target(%dma_start3A_115 : memref<128x32xf32, #tpu.memory_space<vmem>>) offsets(%dma_start3A_116 : memref<128xi32, #tpu.memory_space<vmem>>) semaphore(%arg12 : memref<!tpu.dma_semaphore, #tpu.memory_space<semaphore_mem>>)
      %mul3A_120 = arith.constant 10 : i32
      %mul3A_121 = arith.muli %add3A_16, %mul3A_120 : i32
      %add3A_122 = arith.constant 8 : i32
      %add3A_123 = arith.addi %mul3A_121, %add3A_122 : i32
      %mul3A_124 = arith.constant 128 : i32
      %mul3A_125 = arith.muli %add3A_123, %mul3A_124 : i32
      %dma_start3A_126 = arith.constant 1024 : i32
      %dma_start3A_127 = arith.constant 0 : i32
      %dma_start3A_128 = tpu.memref_slice %arg11[%dma_start3A_126, %dma_start3A_127] : memref<1280x32xf32, #tpu.memory_space<vmem>> -> memref<128x32xf32, #tpu.memory_space<vmem>>
      %dma_start3A_129 = tpu.memref_slice %arg8[%mul3A_125] : memref<44800xi32, #tpu.memory_space<vmem>> -> memref<128xi32, #tpu.memory_space<vmem>>
      %dma_start3A_130 = arith.constant 0 : i32
      %dma_start3A_131 = arith.constant 0 : i32
      %dma_start3A_132 = tpu.memref_slice %arg3[%dma_start3A_130, %dma_start3A_131] : memref<10400000x32xf32, #tpu.memory_space<hbm>> -> memref<10400000x32xf32, #tpu.memory_space<hbm>>
      tpu.enqueue_indirect_dma source(%dma_start3A_132 : memref<10400000x32xf32, #tpu.memory_space<hbm>>) target(%dma_start3A_128 : memref<128x32xf32, #tpu.memory_space<vmem>>) offsets(%dma_start3A_129 : memref<128xi32, #tpu.memory_space<vmem>>) semaphore(%arg12 : memref<!tpu.dma_semaphore, #tpu.memory_space<semaphore_mem>>)
      %mul3A_133 = arith.constant 10 : i32
      %mul3A_134 = arith.muli %add3A_16, %mul3A_133 : i32
      %add3A_135 = arith.constant 9 : i32
      %add3A_136 = arith.addi %mul3A_134, %add3A_135 : i32
      %mul3A_137 = arith.constant 128 : i32
      %mul3A_138 = arith.muli %add3A_136, %mul3A_137 : i32
      %dma_start3A_139 = arith.constant 1152 : i32
      %dma_start3A_140 = arith.constant 0 : i32
      %dma_start3A_141 = tpu.memref_slice %arg11[%dma_start3A_139, %dma_start3A_140] : memref<1280x32xf32, #tpu.memory_space<vmem>> -> memref<128x32xf32, #tpu.memory_space<vmem>>
      %dma_start3A_142 = tpu.memref_slice %arg8[%mul3A_138] : memref<44800xi32, #tpu.memory_space<vmem>> -> memref<128xi32, #tpu.memory_space<vmem>>
      %dma_start3A_143 = arith.constant 0 : i32
      %dma_start3A_144 = arith.constant 0 : i32
      %dma_start3A_145 = tpu.memref_slice %arg3[%dma_start3A_143, %dma_start3A_144] : memref<10400000x32xf32, #tpu.memory_space<hbm>> -> memref<10400000x32xf32, #tpu.memory_space<hbm>>
      tpu.enqueue_indirect_dma source(%dma_start3A_145 : memref<10400000x32xf32, #tpu.memory_space<hbm>>) target(%dma_start3A_141 : memref<128x32xf32, #tpu.memory_space<vmem>>) offsets(%dma_start3A_142 : memref<128xi32, #tpu.memory_space<vmem>>) semaphore(%arg12 : memref<!tpu.dma_semaphore, #tpu.memory_space<semaphore_mem>>)
      %dma_wait3A = arith.constant 0 : i32
      %dma_wait3A_146 = arith.constant 0 : i32
      %dma_wait3A_147 = tpu.memref_slice %arg11[%dma_wait3A, %dma_wait3A_146] : memref<1280x32xf32, #tpu.memory_space<vmem>> -> memref<128x32xf32, #tpu.memory_space<vmem>>
      %dma_wait3A_148 = tpu.memref_slice %arg8[%mul3A_22] : memref<44800xi32, #tpu.memory_space<vmem>> -> memref<128xi32, #tpu.memory_space<vmem>>
      %dma_wait3A_149 = arith.constant 0 : i32
      %dma_wait3A_150 = arith.constant 0 : i32
      %dma_wait3A_151 = tpu.memref_slice %arg3[%dma_wait3A_149, %dma_wait3A_150] : memref<10400000x32xf32, #tpu.memory_space<hbm>> -> memref<10400000x32xf32, #tpu.memory_space<hbm>>
      tpu.wait_indirect_dma semaphore(%arg12 : memref<!tpu.dma_semaphore, #tpu.memory_space<semaphore_mem>>) src(%dma_wait3A_151 : memref<10400000x32xf32, #tpu.memory_space<hbm>>) dst(%dma_wait3A_147 : memref<128x32xf32, #tpu.memory_space<vmem>>)
      %dma_wait3A_152 = arith.constant 128 : i32
      %dma_wait3A_153 = arith.constant 0 : i32
      %dma_wait3A_154 = tpu.memref_slice %arg11[%dma_wait3A_152, %dma_wait3A_153] : memref<1280x32xf32, #tpu.memory_space<vmem>> -> memref<128x32xf32, #tpu.memory_space<vmem>>
      %dma_wait3A_155 = tpu.memref_slice %arg8[%mul3A_34] : memref<44800xi32, #tpu.memory_space<vmem>> -> memref<128xi32, #tpu.memory_space<vmem>>
      %dma_wait3A_156 = arith.constant 0 : i32
      %dma_wait3A_157 = arith.constant 0 : i32
      %dma_wait3A_158 = tpu.memref_slice %arg3[%dma_wait3A_156, %dma_wait3A_157] : memref<10400000x32xf32, #tpu.memory_space<hbm>> -> memref<10400000x32xf32, #tpu.memory_space<hbm>>
      tpu.wait_indirect_dma semaphore(%arg12 : memref<!tpu.dma_semaphore, #tpu.memory_space<semaphore_mem>>) src(%dma_wait3A_158 : memref<10400000x32xf32, #tpu.memory_space<hbm>>) dst(%dma_wait3A_154 : memref<128x32xf32, #tpu.memory_space<vmem>>)
      %dma_wait3A_159 = arith.constant 256 : i32
      %dma_wait3A_160 = arith.constant 0 : i32
      %dma_wait3A_161 = tpu.memref_slice %arg11[%dma_wait3A_159, %dma_wait3A_160] : memref<1280x32xf32, #tpu.memory_space<vmem>> -> memref<128x32xf32, #tpu.memory_space<vmem>>
      %dma_wait3A_162 = tpu.memref_slice %arg8[%mul3A_47] : memref<44800xi32, #tpu.memory_space<vmem>> -> memref<128xi32, #tpu.memory_space<vmem>>
      %dma_wait3A_163 = arith.constant 0 : i32
      %dma_wait3A_164 = arith.constant 0 : i32
      %dma_wait3A_165 = tpu.memref_slice %arg3[%dma_wait3A_163, %dma_wait3A_164] : memref<10400000x32xf32, #tpu.memory_space<hbm>> -> memref<10400000x32xf32, #tpu.memory_space<hbm>>
      tpu.wait_indirect_dma semaphore(%arg12 : memref<!tpu.dma_semaphore, #tpu.memory_space<semaphore_mem>>) src(%dma_wait3A_165 : memref<10400000x32xf32, #tpu.memory_space<hbm>>) dst(%dma_wait3A_161 : memref<128x32xf32, #tpu.memory_space<vmem>>)
      %dma_wait3A_166 = arith.constant 384 : i32
      %dma_wait3A_167 = arith.constant 0 : i32
      %dma_wait3A_168 = tpu.memref_slice %arg11[%dma_wait3A_166, %dma_wait3A_167] : memref<1280x32xf32, #tpu.memory_space<vmem>> -> memref<128x32xf32, #tpu.memory_space<vmem>>
      %dma_wait3A_169 = tpu.memref_slice %arg8[%mul3A_60] : memref<44800xi32, #tpu.memory_space<vmem>> -> memref<128xi32, #tpu.memory_space<vmem>>
      %dma_wait3A_170 = arith.constant 0 : i32
      %dma_wait3A_171 = arith.constant 0 : i32
      %dma_wait3A_172 = tpu.memref_slice %arg3[%dma_wait3A_170, %dma_wait3A_171] : memref<10400000x32xf32, #tpu.memory_space<hbm>> -> memref<10400000x32xf32, #tpu.memory_space<hbm>>
      tpu.wait_indirect_dma semaphore(%arg12 : memref<!tpu.dma_semaphore, #tpu.memory_space<semaphore_mem>>) src(%dma_wait3A_172 : memref<10400000x32xf32, #tpu.memory_space<hbm>>) dst(%dma_wait3A_168 : memref<128x32xf32, #tpu.memory_space<vmem>>)
      %dma_wait3A_173 = arith.constant 512 : i32
      %dma_wait3A_174 = arith.constant 0 : i32
      %dma_wait3A_175 = tpu.memref_slice %arg11[%dma_wait3A_173, %dma_wait3A_174] : memref<1280x32xf32, #tpu.memory_space<vmem>> -> memref<128x32xf32, #tpu.memory_space<vmem>>
      %dma_wait3A_176 = tpu.memref_slice %arg8[%mul3A_73] : memref<44800xi32, #tpu.memory_space<vmem>> -> memref<128xi32, #tpu.memory_space<vmem>>
      %dma_wait3A_177 = arith.constant 0 : i32
      %dma_wait3A_178 = arith.constant 0 : i32
      %dma_wait3A_179 = tpu.memref_slice %arg3[%dma_wait3A_177, %dma_wait3A_178] : memref<10400000x32xf32, #tpu.memory_space<hbm>> -> memref<10400000x32xf32, #tpu.memory_space<hbm>>
      tpu.wait_indirect_dma semaphore(%arg12 : memref<!tpu.dma_semaphore, #tpu.memory_space<semaphore_mem>>) src(%dma_wait3A_179 : memref<10400000x32xf32, #tpu.memory_space<hbm>>) dst(%dma_wait3A_175 : memref<128x32xf32, #tpu.memory_space<vmem>>)
      %dma_wait3A_180 = arith.constant 640 : i32
      %dma_wait3A_181 = arith.constant 0 : i32
      %dma_wait3A_182 = tpu.memref_slice %arg11[%dma_wait3A_180, %dma_wait3A_181] : memref<1280x32xf32, #tpu.memory_space<vmem>> -> memref<128x32xf32, #tpu.memory_space<vmem>>
      %dma_wait3A_183 = tpu.memref_slice %arg8[%mul3A_86] : memref<44800xi32, #tpu.memory_space<vmem>> -> memref<128xi32, #tpu.memory_space<vmem>>
      %dma_wait3A_184 = arith.constant 0 : i32
      %dma_wait3A_185 = arith.constant 0 : i32
      %dma_wait3A_186 = tpu.memref_slice %arg3[%dma_wait3A_184, %dma_wait3A_185] : memref<10400000x32xf32, #tpu.memory_space<hbm>> -> memref<10400000x32xf32, #tpu.memory_space<hbm>>
      tpu.wait_indirect_dma semaphore(%arg12 : memref<!tpu.dma_semaphore, #tpu.memory_space<semaphore_mem>>) src(%dma_wait3A_186 : memref<10400000x32xf32, #tpu.memory_space<hbm>>) dst(%dma_wait3A_182 : memref<128x32xf32, #tpu.memory_space<vmem>>)
      %dma_wait3A_187 = arith.constant 768 : i32
      %dma_wait3A_188 = arith.constant 0 : i32
      %dma_wait3A_189 = tpu.memref_slice %arg11[%dma_wait3A_187, %dma_wait3A_188] : memref<1280x32xf32, #tpu.memory_space<vmem>> -> memref<128x32xf32, #tpu.memory_space<vmem>>
      %dma_wait3A_190 = tpu.memref_slice %arg8[%mul3A_99] : memref<44800xi32, #tpu.memory_space<vmem>> -> memref<128xi32, #tpu.memory_space<vmem>>
      %dma_wait3A_191 = arith.constant 0 : i32
      %dma_wait3A_192 = arith.constant 0 : i32
      %dma_wait3A_193 = tpu.memref_slice %arg3[%dma_wait3A_191, %dma_wait3A_192] : memref<10400000x32xf32, #tpu.memory_space<hbm>> -> memref<10400000x32xf32, #tpu.memory_space<hbm>>
      tpu.wait_indirect_dma semaphore(%arg12 : memref<!tpu.dma_semaphore, #tpu.memory_space<semaphore_mem>>) src(%dma_wait3A_193 : memref<10400000x32xf32, #tpu.memory_space<hbm>>) dst(%dma_wait3A_189 : memref<128x32xf32, #tpu.memory_space<vmem>>)
      %dma_wait3A_194 = arith.constant 896 : i32
      %dma_wait3A_195 = arith.constant 0 : i32
      %dma_wait3A_196 = tpu.memref_slice %arg11[%dma_wait3A_194, %dma_wait3A_195] : memref<1280x32xf32, #tpu.memory_space<vmem>> -> memref<128x32xf32, #tpu.memory_space<vmem>>
      %dma_wait3A_197 = tpu.memref_slice %arg8[%mul3A_112] : memref<44800xi32, #tpu.memory_space<vmem>> -> memref<128xi32, #tpu.memory_space<vmem>>
      %dma_wait3A_198 = arith.constant 0 : i32
      %dma_wait3A_199 = arith.constant 0 : i32
      %dma_wait3A_200 = tpu.memref_slice %arg3[%dma_wait3A_198, %dma_wait3A_199] : memref<10400000x32xf32, #tpu.memory_space<hbm>> -> memref<10400000x32xf32, #tpu.memory_space<hbm>>
      tpu.wait_indirect_dma semaphore(%arg12 : memref<!tpu.dma_semaphore, #tpu.memory_space<semaphore_mem>>) src(%dma_wait3A_200 : memref<10400000x32xf32, #tpu.memory_space<hbm>>) dst(%dma_wait3A_196 : memref<128x32xf32, #tpu.memory_space<vmem>>)
      %dma_wait3A_201 = arith.constant 1024 : i32
      %dma_wait3A_202 = arith.constant 0 : i32
      %dma_wait3A_203 = tpu.memref_slice %arg11[%dma_wait3A_201, %dma_wait3A_202] : memref<1280x32xf32, #tpu.memory_space<vmem>> -> memref<128x32xf32, #tpu.memory_space<vmem>>
      %dma_wait3A_204 = tpu.memref_slice %arg8[%mul3A_125] : memref<44800xi32, #tpu.memory_space<vmem>> -> memref<128xi32, #tpu.memory_space<vmem>>
      %dma_wait3A_205 = arith.constant 0 : i32
      %dma_wait3A_206 = arith.constant 0 : i32
      %dma_wait3A_207 = tpu.memref_slice %arg3[%dma_wait3A_205, %dma_wait3A_206] : memref<10400000x32xf32, #tpu.memory_space<hbm>> -> memref<10400000x32xf32, #tpu.memory_space<hbm>>
      tpu.wait_indirect_dma semaphore(%arg12 : memref<!tpu.dma_semaphore, #tpu.memory_space<semaphore_mem>>) src(%dma_wait3A_207 : memref<10400000x32xf32, #tpu.memory_space<hbm>>) dst(%dma_wait3A_203 : memref<128x32xf32, #tpu.memory_space<vmem>>)
      %dma_wait3A_208 = arith.constant 1152 : i32
      %dma_wait3A_209 = arith.constant 0 : i32
      %dma_wait3A_210 = tpu.memref_slice %arg11[%dma_wait3A_208, %dma_wait3A_209] : memref<1280x32xf32, #tpu.memory_space<vmem>> -> memref<128x32xf32, #tpu.memory_space<vmem>>
      %dma_wait3A_211 = tpu.memref_slice %arg8[%mul3A_138] : memref<44800xi32, #tpu.memory_space<vmem>> -> memref<128xi32, #tpu.memory_space<vmem>>
      %dma_wait3A_212 = arith.constant 0 : i32
      %dma_wait3A_213 = arith.constant 0 : i32
      %dma_wait3A_214 = tpu.memref_slice %arg3[%dma_wait3A_212, %dma_wait3A_213] : memref<10400000x32xf32, #tpu.memory_space<hbm>> -> memref<10400000x32xf32, #tpu.memory_space<hbm>>
      tpu.wait_indirect_dma semaphore(%arg12 : memref<!tpu.dma_semaphore, #tpu.memory_space<semaphore_mem>>) src(%dma_wait3A_214 : memref<10400000x32xf32, #tpu.memory_space<hbm>>) dst(%dma_wait3A_210 : memref<128x32xf32, #tpu.memory_space<vmem>>)
      %mul3A_215 = arith.constant 1280 : i32
      %mul3A_216 = arith.muli %add3A_16, %mul3A_215 : i32
      %add3A_217 = arith.addi %mul3A_6, %mul3A_216 : i32
      "tpu.region"() ({
        %run_scoped3A = tpu.sem_alloc : memref<!tpu.dma_semaphore, #tpu.memory_space<semaphore_mem>>
        %dma_start3A_218 = arith.constant 0 : i32
        %dma_start3A_219 = tpu.memref_slice %arg6[%add3A_217, %dma_start3A_218] : memref<1433600x32xf32, #tpu.memory_space<hbm>> -> memref<1280x32xf32, #tpu.memory_space<hbm>>
        %dma_start3A_220 = arith.constant 0 : i32
        %dma_start3A_221 = tpu.memref_slice %arg6[%add3A_217, %dma_start3A_220] : memref<1433600x32xf32, #tpu.memory_space<hbm>> -> memref<1280x32xf32, #tpu.memory_space<hbm>>
        tpu.enqueue_dma source(%arg11 : memref<1280x32xf32, #tpu.memory_space<vmem>>) target(%dma_start3A_221 : memref<1280x32xf32, #tpu.memory_space<hbm>>) target_semaphore(%run_scoped3A : memref<!tpu.dma_semaphore, #tpu.memory_space<semaphore_mem>>)
        %dma_wait3A_222 = arith.constant 0 : i32
        %dma_wait3A_223 = tpu.memref_slice %arg6[%add3A_217, %dma_wait3A_222] : memref<1433600x32xf32, #tpu.memory_space<hbm>> -> memref<1280x32xf32, #tpu.memory_space<hbm>>
        %dma_wait3A_224 = arith.constant 0 : i32
        %dma_wait3A_225 = tpu.memref_slice %arg6[%add3A_217, %dma_wait3A_224] : memref<1433600x32xf32, #tpu.memory_space<hbm>> -> memref<1280x32xf32, #tpu.memory_space<hbm>>
        tpu.wait_dma2 semaphore(%run_scoped3A : memref<!tpu.dma_semaphore, #tpu.memory_space<semaphore_mem>>) src(%arg11 : memref<1280x32xf32, #tpu.memory_space<vmem>>) dst(%dma_wait3A_225 : memref<1280x32xf32, #tpu.memory_space<hbm>>)
        tpu.yield
      }) : () -> ()
    }
    %scan3A_11 = arith.constant 35 : i32
    return
  }
}

module attributes {stable_mosaic.version = 14 : i64} {
  func.func @_mm_body(%arg0: i32, %arg1: memref<256x7x8x128xf32, #tpu.memory_space<vmem>>, %arg2: memref<7x128x128xf32, #tpu.memory_space<vmem>>, %arg3: memref<1x128xf32, #tpu.memory_space<vmem>>, %arg4: memref<2048x128xf32, #tpu.memory_space<vmem>>) attributes {dimension_semantics = [#tpu.dimension_semantics<arbitrary>], iteration_bounds = array<i64: 25>, scalar_prefetch = 0 : i64, scratch_operands = 0 : i64, tpu.core_type = #tpu.core_type<tc>, window_params = [{transform_indices = @transform_0, window_bounds = array<i64: 256, 7, 8, 128>}, {pipeline_mode = #tpu.pipeline_mode<synchronous>, transform_indices = @transform_1, window_bounds = array<i64: 7, 128, 128>}, {pipeline_mode = #tpu.pipeline_mode<synchronous>, transform_indices = @transform_2, window_bounds = array<i64: 1, 128>}, {transform_indices = @transform_3, window_bounds = array<i64: 2048, 128>}]} {
    %get3A = arith.constant 0 : index
    %get3A_0 = arith.constant 0 : index
    %get3A_1 = vector.load %arg3[%get3A, %get3A_0] : memref<1x128xf32, #tpu.memory_space<vmem>>, vector<1x128xf32>
    %broadcast_in_dim3A = vector.shape_cast %get3A_1 : vector<1x128xf32> to vector<1x128xf32>
    %broadcast_in_dim3A_2 = vector.broadcast %broadcast_in_dim3A : vector<1x128xf32> to vector<2048x128xf32>
    %get3A_3 = arith.constant 0 : index
    %get3A_4 = arith.constant 0 : index
    %get3A_5 = arith.constant 0 : index
    %get3A_6 = arith.constant 0 : index
    %get3A_7 = vector.load %arg1[%get3A_3, %get3A_4, %get3A_5, %get3A_6] : memref<256x7x8x128xf32, #tpu.memory_space<vmem>>, vector<256x1x8x128xf32>
    %get3A_8 = vector.shape_cast %get3A_7 : vector<256x1x8x128xf32> to vector<256x8x128xf32>
    %reshape3A = vector.shape_cast %get3A_8 : vector<256x8x128xf32> to vector<2048x128xf32>
    %get3A_9 = arith.constant 0 : index
    %get3A_10 = arith.constant 0 : index
    %get3A_11 = arith.constant 0 : index
    %get3A_12 = vector.load %arg2[%get3A_9, %get3A_10, %get3A_11] : memref<7x128x128xf32, #tpu.memory_space<vmem>>, vector<1x128x128xf32>
    %get3A_13 = vector.shape_cast %get3A_12 : vector<1x128x128xf32> to vector<128x128xf32>
    %dot_general3A = arith.constant dense<0.000000e+00> : vector<2048x128xf32>
    %dot_general3A_14 = tpu.matmul %reshape3A, %get3A_13, %dot_general3A {dimension_numbers = #tpu.dot_dimension_numbers<[1], [0], [0], [1], [0, 0, 1, 1], [], []>, transpose_lhs_hint = false} : vector<2048x128xf32>, vector<128x128xf32>, vector<2048x128xf32> -> vector<2048x128xf32>
    %add3A = arith.addf %broadcast_in_dim3A_2, %dot_general3A_14 : vector<2048x128xf32>
    %get3A_15 = arith.constant 0 : index
    %get3A_16 = arith.constant 1 : index
    %get3A_17 = arith.constant 0 : index
    %get3A_18 = arith.constant 0 : index
    %get3A_19 = vector.load %arg1[%get3A_15, %get3A_16, %get3A_17, %get3A_18] : memref<256x7x8x128xf32, #tpu.memory_space<vmem>>, vector<256x1x8x128xf32>
    %get3A_20 = vector.shape_cast %get3A_19 : vector<256x1x8x128xf32> to vector<256x8x128xf32>
    %reshape3A_21 = vector.shape_cast %get3A_20 : vector<256x8x128xf32> to vector<2048x128xf32>
    %get3A_22 = arith.constant 1 : index
    %get3A_23 = arith.constant 0 : index
    %get3A_24 = arith.constant 0 : index
    %get3A_25 = vector.load %arg2[%get3A_22, %get3A_23, %get3A_24] : memref<7x128x128xf32, #tpu.memory_space<vmem>>, vector<1x128x128xf32>
    %get3A_26 = vector.shape_cast %get3A_25 : vector<1x128x128xf32> to vector<128x128xf32>
    %dot_general3A_27 = arith.constant dense<0.000000e+00> : vector<2048x128xf32>
    %dot_general3A_28 = tpu.matmul %reshape3A_21, %get3A_26, %dot_general3A_27 {dimension_numbers = #tpu.dot_dimension_numbers<[1], [0], [0], [1], [0, 0, 1, 1], [], []>, transpose_lhs_hint = false} : vector<2048x128xf32>, vector<128x128xf32>, vector<2048x128xf32> -> vector<2048x128xf32>
    %add3A_29 = arith.addf %add3A, %dot_general3A_28 : vector<2048x128xf32>
    %get3A_30 = arith.constant 0 : index
    %get3A_31 = arith.constant 2 : index
    %get3A_32 = arith.constant 0 : index
    %get3A_33 = arith.constant 0 : index
    %get3A_34 = vector.load %arg1[%get3A_30, %get3A_31, %get3A_32, %get3A_33] : memref<256x7x8x128xf32, #tpu.memory_space<vmem>>, vector<256x1x8x128xf32>
    %get3A_35 = vector.shape_cast %get3A_34 : vector<256x1x8x128xf32> to vector<256x8x128xf32>
    %reshape3A_36 = vector.shape_cast %get3A_35 : vector<256x8x128xf32> to vector<2048x128xf32>
    %get3A_37 = arith.constant 2 : index
    %get3A_38 = arith.constant 0 : index
    %get3A_39 = arith.constant 0 : index
    %get3A_40 = vector.load %arg2[%get3A_37, %get3A_38, %get3A_39] : memref<7x128x128xf32, #tpu.memory_space<vmem>>, vector<1x128x128xf32>
    %get3A_41 = vector.shape_cast %get3A_40 : vector<1x128x128xf32> to vector<128x128xf32>
    %dot_general3A_42 = arith.constant dense<0.000000e+00> : vector<2048x128xf32>
    %dot_general3A_43 = tpu.matmul %reshape3A_36, %get3A_41, %dot_general3A_42 {dimension_numbers = #tpu.dot_dimension_numbers<[1], [0], [0], [1], [0, 0, 1, 1], [], []>, transpose_lhs_hint = false} : vector<2048x128xf32>, vector<128x128xf32>, vector<2048x128xf32> -> vector<2048x128xf32>
    %add3A_44 = arith.addf %add3A_29, %dot_general3A_43 : vector<2048x128xf32>
    %get3A_45 = arith.constant 0 : index
    %get3A_46 = arith.constant 3 : index
    %get3A_47 = arith.constant 0 : index
    %get3A_48 = arith.constant 0 : index
    %get3A_49 = vector.load %arg1[%get3A_45, %get3A_46, %get3A_47, %get3A_48] : memref<256x7x8x128xf32, #tpu.memory_space<vmem>>, vector<256x1x8x128xf32>
    %get3A_50 = vector.shape_cast %get3A_49 : vector<256x1x8x128xf32> to vector<256x8x128xf32>
    %reshape3A_51 = vector.shape_cast %get3A_50 : vector<256x8x128xf32> to vector<2048x128xf32>
    %get3A_52 = arith.constant 3 : index
    %get3A_53 = arith.constant 0 : index
    %get3A_54 = arith.constant 0 : index
    %get3A_55 = vector.load %arg2[%get3A_52, %get3A_53, %get3A_54] : memref<7x128x128xf32, #tpu.memory_space<vmem>>, vector<1x128x128xf32>
    %get3A_56 = vector.shape_cast %get3A_55 : vector<1x128x128xf32> to vector<128x128xf32>
    %dot_general3A_57 = arith.constant dense<0.000000e+00> : vector<2048x128xf32>
    %dot_general3A_58 = tpu.matmul %reshape3A_51, %get3A_56, %dot_general3A_57 {dimension_numbers = #tpu.dot_dimension_numbers<[1], [0], [0], [1], [0, 0, 1, 1], [], []>, transpose_lhs_hint = false} : vector<2048x128xf32>, vector<128x128xf32>, vector<2048x128xf32> -> vector<2048x128xf32>
    %add3A_59 = arith.addf %add3A_44, %dot_general3A_58 : vector<2048x128xf32>
    %get3A_60 = arith.constant 0 : index
    %get3A_61 = arith.constant 4 : index
    %get3A_62 = arith.constant 0 : index
    %get3A_63 = arith.constant 0 : index
    %get3A_64 = vector.load %arg1[%get3A_60, %get3A_61, %get3A_62, %get3A_63] : memref<256x7x8x128xf32, #tpu.memory_space<vmem>>, vector<256x1x8x128xf32>
    %get3A_65 = vector.shape_cast %get3A_64 : vector<256x1x8x128xf32> to vector<256x8x128xf32>
    %reshape3A_66 = vector.shape_cast %get3A_65 : vector<256x8x128xf32> to vector<2048x128xf32>
    %get3A_67 = arith.constant 4 : index
    %get3A_68 = arith.constant 0 : index
    %get3A_69 = arith.constant 0 : index
    %get3A_70 = vector.load %arg2[%get3A_67, %get3A_68, %get3A_69] : memref<7x128x128xf32, #tpu.memory_space<vmem>>, vector<1x128x128xf32>
    %get3A_71 = vector.shape_cast %get3A_70 : vector<1x128x128xf32> to vector<128x128xf32>
    %dot_general3A_72 = arith.constant dense<0.000000e+00> : vector<2048x128xf32>
    %dot_general3A_73 = tpu.matmul %reshape3A_66, %get3A_71, %dot_general3A_72 {dimension_numbers = #tpu.dot_dimension_numbers<[1], [0], [0], [1], [0, 0, 1, 1], [], []>, transpose_lhs_hint = false} : vector<2048x128xf32>, vector<128x128xf32>, vector<2048x128xf32> -> vector<2048x128xf32>
    %add3A_74 = arith.addf %add3A_59, %dot_general3A_73 : vector<2048x128xf32>
    %get3A_75 = arith.constant 0 : index
    %get3A_76 = arith.constant 5 : index
    %get3A_77 = arith.constant 0 : index
    %get3A_78 = arith.constant 0 : index
    %get3A_79 = vector.load %arg1[%get3A_75, %get3A_76, %get3A_77, %get3A_78] : memref<256x7x8x128xf32, #tpu.memory_space<vmem>>, vector<256x1x8x128xf32>
    %get3A_80 = vector.shape_cast %get3A_79 : vector<256x1x8x128xf32> to vector<256x8x128xf32>
    %reshape3A_81 = vector.shape_cast %get3A_80 : vector<256x8x128xf32> to vector<2048x128xf32>
    %get3A_82 = arith.constant 5 : index
    %get3A_83 = arith.constant 0 : index
    %get3A_84 = arith.constant 0 : index
    %get3A_85 = vector.load %arg2[%get3A_82, %get3A_83, %get3A_84] : memref<7x128x128xf32, #tpu.memory_space<vmem>>, vector<1x128x128xf32>
    %get3A_86 = vector.shape_cast %get3A_85 : vector<1x128x128xf32> to vector<128x128xf32>
    %dot_general3A_87 = arith.constant dense<0.000000e+00> : vector<2048x128xf32>
    %dot_general3A_88 = tpu.matmul %reshape3A_81, %get3A_86, %dot_general3A_87 {dimension_numbers = #tpu.dot_dimension_numbers<[1], [0], [0], [1], [0, 0, 1, 1], [], []>, transpose_lhs_hint = false} : vector<2048x128xf32>, vector<128x128xf32>, vector<2048x128xf32> -> vector<2048x128xf32>
    %add3A_89 = arith.addf %add3A_74, %dot_general3A_88 : vector<2048x128xf32>
    %get3A_90 = arith.constant 0 : index
    %get3A_91 = arith.constant 6 : index
    %get3A_92 = arith.constant 0 : index
    %get3A_93 = arith.constant 0 : index
    %get3A_94 = vector.load %arg1[%get3A_90, %get3A_91, %get3A_92, %get3A_93] : memref<256x7x8x128xf32, #tpu.memory_space<vmem>>, vector<256x1x8x128xf32>
    %get3A_95 = vector.shape_cast %get3A_94 : vector<256x1x8x128xf32> to vector<256x8x128xf32>
    %reshape3A_96 = vector.shape_cast %get3A_95 : vector<256x8x128xf32> to vector<2048x128xf32>
    %get3A_97 = arith.constant 6 : index
    %get3A_98 = arith.constant 0 : index
    %get3A_99 = arith.constant 0 : index
    %get3A_100 = vector.load %arg2[%get3A_97, %get3A_98, %get3A_99] : memref<7x128x128xf32, #tpu.memory_space<vmem>>, vector<1x128x128xf32>
    %get3A_101 = vector.shape_cast %get3A_100 : vector<1x128x128xf32> to vector<128x128xf32>
    %dot_general3A_102 = arith.constant dense<0.000000e+00> : vector<2048x128xf32>
    %dot_general3A_103 = tpu.matmul %reshape3A_96, %get3A_101, %dot_general3A_102 {dimension_numbers = #tpu.dot_dimension_numbers<[1], [0], [0], [1], [0, 0, 1, 1], [], []>, transpose_lhs_hint = false} : vector<2048x128xf32>, vector<128x128xf32>, vector<2048x128xf32> -> vector<2048x128xf32>
    %add3A_104 = arith.addf %add3A_89, %dot_general3A_103 : vector<2048x128xf32>
    %swap3A = arith.constant 0 : index
    %swap3A_105 = arith.constant 0 : index
    %swap3A_106 = vector.load %arg4[%swap3A, %swap3A_105] : memref<2048x128xf32, #tpu.memory_space<vmem>>, vector<2048x128xf32>
    tpu.vector_store %arg4[%swap3A, %swap3A_105], %add3A_104 {strides = array<i32>} : memref<2048x128xf32, #tpu.memory_space<vmem>>, vector<2048x128xf32>,
    return
  }
  func.func @transform_0(%arg0: i32) -> (i32, i32, i32, i32) {
    %c0_i32 = arith.constant 0 : i32
    %c0_i32_0 = arith.constant 0 : i32
    %c0_i32_1 = arith.constant 0 : i32
    %c0_i32_2 = arith.constant 0 : i32
    return %arg0, %c0_i32, %c0_i32_0, %c0_i32_1 : i32, i32, i32, i32
  }
  func.func @transform_1(%arg0: i32) -> (i32, i32, i32) {
    %c0_i32 = arith.constant 0 : i32
    %c0_i32_0 = arith.constant 0 : i32
    %c0_i32_1 = arith.constant 0 : i32
    %c0_i32_2 = arith.constant 0 : i32
    return %c0_i32, %c0_i32_0, %c0_i32_1 : i32, i32, i32
  }
  func.func @transform_2(%arg0: i32) -> (i32, i32) {
    %c0_i32 = arith.constant 0 : i32
    %c0_i32_0 = arith.constant 0 : i32
    %c0_i32_1 = arith.constant 0 : i32
    return %c0_i32, %c0_i32_0 : i32, i32
  }
  func.func @transform_3(%arg0: i32) -> (i32, i32) {
    %c0_i32 = arith.constant 0 : i32
    %c0_i32_0 = arith.constant 0 : i32
    return %arg0, %c0_i32 : i32, i32
  }
}

</mosaic_0001>

<sc_bundles>
// kernel: sc_gather.3.cloned.1.call-start
scs
__scs_entry_jumppad:
0x0: {  	(pc) =	sbr.rel $0x88, $3  }
0x1: {  	(tag) =	ssettag $0x0;
	lr =	simm.s32 $0x1  }
0x2: {  	[smem:$0x3F9D] =	sst lr;
	_ =	strace $0xD0000000  }
0x3: {  	_ = 	snop  }
0x4: {  	_ = 	snop  }
0x5: {  	_ = 	snop  }
0x6: {  	_ = 	snop  }
0x7: {  	_ = 	snop  }
__scs_overlays_trampoline_lowered:
0x8: {  	[smem:$0x3FAC] =	sst s0  }
0x9: {  	[smem:$0x3FAD] =	sst s1  }
0xa: {  	[smem:$0x3FAE] =	sst s2  }
0xb: {  	[smem:$0x3FAF] =	sst s3  }
0xc: {  	[smem:$0x3FB0] =	sst s4  }
0xd: {  	[smem:$0x3FB1] =	sst s5  }
0xe: {  	[smem:$0x3FB2] =	sst s6  }
0xf: {  	[smem:$0x3FB3] =	sst s7  }
0x10: {  	[smem:$0x3FB4] =	sst s8  }
0x11: {  	[smem:$0x3FB5] =	sst s9;
	s0 =	simm.s32 @!p0 $0x0  }
0x12: {  	s1 =	sld [smem:$0x3F9B];
	s0 =	simm.s32 @p0 $0x1  }
0x13: {  	[smem:$0x3FB6] =	sst s0;
	s0 =	simm.s32 @!p1 $0x0  }
0x14: {  	s2 =	sld [smem:$0x3F9A];
	s0 =	simm.s32 @p1 $0x1  }
0x15: {  	[smem:$0x3FB7] =	sst s0;
	s0 =	simm.s32 @!p2 $0x0  }
0x16: {  	s3 =	sld [smem:$0x3FDB];
	s0 =	simm.s32 @p2 $0x1  }
0x17: {  	s4 =	simm.s32 $0x1BF5;
	[smem:$0x3FB9] =	sst s0  }
0x18: {  	s0 =	sld [smem:$0x3F9C];
	_ =	swait.ge [sflag:s4], $0x0  }
0x19: {  	s7 =	sld [smem:$0x3F9D]  }
0x1a: {  	s8 =	sadd.s32 $0xFFFFE003, lr  }
0x1b: {  	s9 =	sadd.s32 $0xFFFFFEF7, lr;
	s5 =	simm.s32 $0xFFFFFFFF;
	p2 =	slt.u32 s8, $0xFFFFF086  }
0x1c: {  	p1 =	slt.u32 s9, $0xF7A;
	s5 =	simm.s32 @!p2 $0x0  }
0x1d: {  	s5 =	simm.s32 @p1 $0x1;
	p0 =	seq.s32 s7, s2  }
0x1e: {  	s7 =	smul.u32 @!p0 $0xF7A, s2;
	p2 =	seq.s32 @!p0 s5, $0x0  }
0x1f: {  	s9 =	smul.u32 $0xF7A, s1;
	s8 =	simm.s32 @!p0 $0x1BF5;
	p2 =	por !p2, p0  }
0x20: {  	[sflag:s8] =	ssyncset.s32 @!p0 $0xFFFFF086;
	s6 =	sadd.s32 @!p0 s3, s7;
	s7 =	simm.s32 @!p0 $0x108  }
0x21: {  	s3 =	sadd.s32 s3, s9;
	s6 =	sadd.s32 @!p0 $0x88, s6;
	s7 =	simm.s32 @p2 $0x1082  }
0x22: {  	[simem:s7], [sflag:s8] =	dma.local @!p0 [hbm:s6], $0xF7A  }
0x23: {  	s9 =	sor.u32 $0xD0000000, s2;
	s6 =	simm.s32 $0x108;
	_ =	swait.ge @!p0 [sflag:s8], $0x0  }
0x24: {  	s3 =	sadd.s32 $0x88, s3;
	s6 =	simm.s32 @!p1 $0x1082;
	[sflag:s4] =	ssyncset.s32 $0xFFFFF086  }
0x25: {  	[simem:s6], [sflag:s4] =	dma.local [hbm:s3], $0xF7A  }
0x26: {  	[smem:$0x3F9D] =	sst s1;
	(tag) =	ssettag s2;
	_ =	strace s9  }
0x27: {  	s1 =	sld [smem:$0x3FAD]  }
0x28: {  	s2 =	sld [smem:$0x3FAE]  }
0x29: {  	s4 =	sld [smem:$0x3FB0]  }
0x2a: {  	p0 =	seq.s32 s5, $0x0;
	s5 =	sld [smem:$0x3FB1]  }
0x2b: {  	s6 =	sld [smem:$0x3FB2]  }
0x2c: {  	s7 =	sld [smem:$0x3FB3]  }
0x2d: {  	s3 =	simm.s32 $0x108;
	s8 =	sld [smem:$0x3FB4]  }
0x2e: {  	s3 =	simm.s32 @!p0 $0x1082;
	s9 =	sld [smem:$0x3FB5]  }
0x2f: {  	lr =	sadd.s32 s0, s3;
	s0 =	sld [smem:$0x3FAC]  }
0x30: {  	s3 =	sld [smem:$0x3FAF]  }
0x31: {  	[smem:$0x3FB8] =	sst s10  }
0x32: {  	s10 =	sld [smem:$0x3FB6];
	_ =	sdelay $0x3  }
0x33: {  	p0 =	seq.s32 s10, $0x1;
	s10 =	sld [smem:$0x3FB8];
	_ =	sdelay $0x3  }
0x34: {  	[smem:$0x3FB8] =	sst s10  }
0x35: {  	s10 =	sld [smem:$0x3FB7];
	_ =	sdelay $0x3  }
0x36: {  	p1 =	seq.s32 s10, $0x1;
	s10 =	sld [smem:$0x3FB8];
	_ =	sdelay $0x3  }
0x37: {  	[smem:$0x3FB8] =	sst s10  }
0x38: {  	s10 =	sld [smem:$0x3FB9]  }
0x39: {  	_ = 	snop;
	(pc) =	sbr.ind lr, $3  }
0x3a: {  	_ = 	snop  }
0x3b: {  	_ = 	snop  }
0x3c: {  	p2 =	seq.s32 s10, $0x1;
	s10 =	sld [smem:$0x3FB8]  }
0x3d: {  	_ =	shalt  }
0x3e: {  	_ =	shalt  }
0x3f: {  	_ =	shalt  }
0x40: {  	_ =	shalt  }
0x41: {  	_ =	shalt  }
0x42: {  	_ =	shalt  }
0x43: {  	_ =	shalt  }
0x44: {  	_ =	shalt  }
0x45: {  	_ =	shalt  }
0x46: {  	_ =	shalt  }
0x47: {  	_ =	shalt  }
0x48: {  	_ =	shalt  }
0x49: {  	_ =	shalt  }
0x4a: {  	_ =	shalt  }
0x4b: {  	_ =	shalt  }
0x4c: {  	_ =	shalt  }
0x4d: {  	_ =	shalt  }
0x4e: {  	_ =	shalt  }
0x4f: {  	_ =	shalt  }
0x50: {  	_ =	shalt  }
0x51: {  	_ =	shalt  }
0x52: {  	_ =	shalt  }
0x53: {  	_ =	shalt  }
0x54: {  	_ =	shalt  }
0x55: {  	_ =	shalt  }
0x56: {  	_ =	shalt  }
0x57: {  	_ =	shalt  }
0x58: {  	_ =	shalt  }
0x59: {  	_ =	shalt  }
0x5a: {  	_ =	shalt  }
0x5b: {  	_ =	shalt  }
0x5c: {  	_ =	shalt  }
0x5d: {  	_ =	shalt  }
0x5e: {  	_ =	shalt  }
0x5f: {  	_ =	shalt  }
0x60: {  	_ =	shalt  }
0x61: {  	_ =	shalt  }
0x62: {  	_ =	shalt  }
0x63: {  	_ =	shalt  }
0x64: {  	_ =	shalt  }
0x65: {  	_ =	shalt  }
0x66: {  	_ =	shalt  }
0x67: {  	_ =	shalt  }
0x68: {  	_ =	shalt  }
0x69: {  	_ =	shalt  }
0x6a: {  	_ =	shalt  }
0x6b: {  	_ =	shalt  }
0x6c: {  	_ =	shalt  }
0x6d: {  	_ =	shalt  }
0x6e: {  	_ =	shalt  }
0x6f: {  	_ =	shalt  }
0x70: {  	_ =	shalt  }
0x71: {  	_ =	shalt  }
0x72: {  	_ =	shalt  }
0x73: {  	_ =	shalt  }
0x74: {  	_ =	shalt  }
0x75: {  	_ =	shalt  }
0x76: {  	_ =	shalt  }
0x77: {  	_ =	shalt  }
0x78: {  	_ =	shalt  }
0x79: {  	_ =	shalt  }
0x7a: {  	_ =	shalt  }
0x7b: {  	_ =	shalt  }
0x7c: {  	_ =	shalt  }
0x7d: {  	_ =	shalt  }
0x7e: {  	_ =	shalt  }
0x7f: {  	_ =	shalt  }
0x80: {  	_ =	shalt  }
0x81: {  	_ =	shalt  }
0x82: {  	_ =	shalt  }
0x83: {  	_ =	shalt  }
0x84: {  	_ =	shalt  }
0x85: {  	_ =	shalt  }
0x86: {  	_ =	shalt  }
0x87: {  	_ =	shalt  }
.Lfunc_end0:
.L_simem_size_0:
called_computation.1_lowered:
.L_overlay_start_0:
0x88: {  	s2 =	sld [smem:$0x3FD9]  }
0x89: {  	s3 =	sld [smem:$0x3FFE];
	_ =	sdelay $0x1  }
0x8a: {  	s1 =	srdreg.scid  }
0x8b: {  	s0 =	sand.u32 $0x1, s1  }
0x8c: {  	s17 =	sshll.u32 s0, $0xA;
	s2 =	sadd.s32 s3, s2  }
0x8d: {  	s2 =	sadd.s32 s2, s17  }
0x8e: {  	[smem:$0x3FC4] =	sst s2  }
0x8f: {  	_ = 	snop  }
0x90: {  	s2 =	sld [smem:$0x3FD0];
	(tm) =	ssettm $0x1  }
0x91: {  	s18 =	sld [smem:$0x3FFB];
	_ =	sdelay $0x3  }
0x92: {  	_ =	strace s18  }
0x93: {  	s3 =	sld [smem:$0x3FFC];
	_ =	sdelay $0x3  }
0x94: {  	_ =	strace s3  }
0x95: {  	s3 =	sld [smem:$0x3FFD];
	_ =	sdelay $0x3  }
0x96: {  	_ =	strace s3  }
0x97: {  	_ =	strace $0x8FFFFFFF  }
0x98: {  	s19 =	sld [smem:$0x3FDB];
	_ =	sdelay $0x1  }
0x99: {  	s4 =	simm.s32 $_scs_section_size  }
0x9a: {  	s5 =	simm.s32 $_size__tile_overlayer_lowered;
	s6 =	simm.s32 $_tile_overlayer_lowered  }
0x9b: {  	s22 =	simm.s32 $0x1BFF;
	s21 =	sshll.u32 s6, $0x1;
	s3 =	sadd.s32 s4, s19  }
0x9c: {  	s7 =	simm.s32 $0x0;
	s20 =	sshll.u32 s5, $0x1;
	s5 =	sadd.s32 s21, s3  }
0x9d: {  	[timem:s7], [sflag:s22] =	dma.local [hbm:s5], s20  }
0x9e: {  	_ =	swait.ge [sflag:s22], s20  }
0x9f: {  	s4 =	ssub.s32 $0x0, s20;
	[sflag:s22] =	ssyncset.done $0x0  }
0xa0: {  	[sflag:s22] =	ssyncadd.s32 s4;
	_ =	sdelay $0x1  }
0xa1: {  	s23 =	simm.s32 $0x1B8B  }
0xa2: {  	_ =	swait.ge [sflag:s23], $0x1  }
0xa3: {  	[sflag:s23] =	ssyncset.done $0x0  }
0xa4: {  	s25 =	simm.s32 $0x1B8E;
	s24 =	sld [smem:$0x3FFE];
	[sflag:s23] =	ssyncadd.s32 $0xFFFFFFFF  }
0xa5: {  	s26 =	simm.s32 $execute0_lowered;
	[smem:$0x3FD2] =	sst s25  }
0xa6: {  	s5 =	sshll.u32 s26, $0x1;
	_ =	strace $0x80000049;
	[dreg:$0x1] =	wrdreg $0xFFFFFFFF  }
0xa7: {  	s28 =	simm.s32 $_size_execute0_lowered;
	s3 =	sadd.s32 s3, s5;
	[dreg:$0x0] =	wrdreg $0x0  }
0xa8: {  	s5 =	sshll.u32 s28, $0x1;
	[dreg:$0x2] =	wrdreg s3  }
0xa9: {  	[dreg:$0x3] =	wrdreg s5  }
0xaa: {  	[dreg:$0x4] =	wrdreg $0xC0  }
0xab: {  	_ =	task [dreg:s7], $0x5FFFF  }
0xac: {  	[dreg:$0x1] =	wrdreg $0xFFFFFFFF  }
0xad: {  	[dreg:$0x0] =	wrdreg $0x60  }
0xae: {  	[dreg:$0x2] =	wrdreg s2  }
0xaf: {  	[dreg:$0x3] =	wrdreg s24  }
0xb0: {  	[dreg:$0x4] =	wrdreg $0x9  }
0xb1: {  	_ =	task.clear_ibuf [dreg:s7], $0x5FFFF;
	_ =	strace $0x90000049  }
0xb2: {  	s29 =	simm.s32 $0x9;
	_ =	strace $0x8000004B  }
0xb3: {  	_ =	swait.ge [sflag:s29], $0x1  }
0xb4: {  	[sflag:s29] =	ssyncadd.s32 $0xFFFFFFFF  }
0xb5: {  	_ =	strace $0x9000004B  }
0xb6: {  	_ =	sfence  }
0xb7: {  	s30 =	sld [smem:$0x0];
	_ =	sdelay $0x2  }
0xb8: {  	s31 =	sshll.u32 s1, $0xD;
	s1 =	sshrl.u32 s1, $0x2  }
0xb9: {  	s3 =	sand.u32 $0x4000, s31;
	s1 =	sadd.s32 s1, s30  }
0xba: {  	s0 =	sor.u32 s3, s0;
	s1 =	sshll.u32 s1, $0x11  }
0xbb: {  	s0 =	sor.u32 s1, s0  }
0xbc: {  	s0 =	sadd.s32 $0x8F2B, s0  }
0xbd: {  	[sflag:s0] =	ssyncadd.remote.s32 $0x1  }
0xbe: {  	_ =	sfence.sel $0xFFFF  }
0xbf: {  	[dreg:$0x0] =	wrdreg $0xFFFFFFFF;
	(pc) =	sbr.abs _section_cstart, $3  }
0xc0: {  	[dreg:$0x1] =	wrdreg $0xFFFFFFFF  }
0xc1: {  	_ =	task.clear_ibuf [dreg:s7], $0x2FFFF;
	_ =	strace $0x9FFFFFFF  }
0xc2: {  	(tm) =	ssettm $0x7FFFFFFF  }
0xc3: {  	_ =	shalt  }
tec
execute0_lowered:
.L_overlay_start_1:
0x0: {  	(tag) =	ssettag $0x1  }
0x1: {  	s6 =	rddreg [dreg:$0x0]  }
0x2: {  	s7 =	rddreg [dreg:$0x1]  }
0x3: {  	s0 =	rddreg [dreg:$0x2];
	s2 =	simm.s32 $0x0;
	s1 =	stileid.u32  }
0x4: {  	s3 =	srdreg.scid;
	s12 =	simm.s32 $0x80;
	s13 =	simm.s32 $0x15340  }
0x5: {  	s14 =	simm.s32 $0x16340;
	s15 =	simm.s32 $0x17340;
	s16 =	simm.s32 $0x18340  }
0x6: {  	s17 =	simm.s32 $0x19340;
	s18 =	simm.s32 $0x1A340;
	s19 =	simm.s32 $0x1B340  }
0x7: {  	s20 =	simm.s32 $0x1C340;
	s21 =	simm.s32 $0x1D340;
	s22 =	simm.s32 $0x1E340  }
0x8: {  	s23 =	simm.s32 $0x1;
	s24 =	simm.s32 $0x0;
	[smem:$0x7FF] =	sst s2  }
0x9: {  	s5 =	sand.u32 $0x1, s3;
	s29 =	sshll.u32 s1, $0x1;
	s8 =	smul.u32 $0x57800, s1  }
0xa: {  	s3 =	sadd.s32 $0x27AD400, s7;
	s4 =	sor.u32 s5, s29;
	s11 =	smul.u32 $0x2BC00, s5  }
0xb: {  	s10 =	ssub.s32 $0x2, s5;
	s5 =	sadd.s32 $0x1000, s7;
	s9 =	smul.u32 $0x1450, s4  }
0xc: {  	s4 =	sadd.s32 $0x1200, s7;
	s7 =	sadd.s32 s8, s7;
	s30 =	sshrl.u32 s10, $0x1  }
0xd: {  	_ =	strace $0x8000004A;
	s8 =	ssub.s32 s10, s30;
	s31 =	sadd.s32 s11, s7  }
0xe: {  	s10 =	simm.s32 $0x2;
	s11 =	simm.s32 $0x15260;
	s6 =	sadd.s32 s6, s9  }
0xf: {  	s7 =	smax.u32 s8, $0x1;
	s8 =	sadd.s32 $0x1400, s31;
	s9 =	simm.s32 $0x15180  }
.LBB2_1:
0x10: {  	[tilespmem:s9], [sflag:$0x2] =	stream.linear.gather [hbm4b:s4+s2], $0xE0, $0x38;
	[tilespmem:$0x1F340] =	vst v63  }
0x11: {  	_ =	swait.ge [sflag:s10], $0xE0  }
0x12: {  	[sflag:s10] =	ssyncset.done $0x0  }
0x13: {  	[sflag:s10] =	ssyncadd.s32 $0xFFFFFF20  }
0x14: {  	[tilespmem:s11], [sflag:$0x2] =	stream.linear.gather [hbm4b:s5+s2], $0xE0, $0x38;
	[tilespmem:$0x1F340] =	vst v63  }
0x15: {  	_ =	swait.ge [sflag:s10], $0xE0  }
0x16: {  	[sflag:s10] =	ssyncset.done $0x0  }
0x17: {  	[sflag:s10] =	ssyncadd.s32 $0xFFFFFF20  }
0x18: {  	[tilespmem:s2], [sflag:$0x2] =	stream.linear.gather [hbm4b:s6+s2], $0xA280, $0x38;
	[tilespmem:$0x1F340] =	vst v63  }
0x19: {  	_ =	swait.ge [sflag:s10], $0xA280  }
0x1a: {  	[sflag:s10] =	ssyncset.done $0x0  }
0x1b: {  	s25 =	simm.s32 $0xA2F0;
	s26 =	simm.s32 $0x0;
	[sflag:s10] =	ssyncadd.s32 $0xFFFF5D80  }
.LBB2_2:
0x1c: {  	v0 =	vld [tilespmem:$0x15180];
	_ =	sdelay $0x4  }
0x1d: {  	v0 =	vadd.s32 s26, v0;
	_ =	sdelay $0x3  }
0x1e: {  	s28 =	simm.s32 $0x0  }
0x1f: {  	v0 =	vld.idx.msk [tilespmem:v0+s28+$0x0], $0xffff  }
0x20: {  	v1 =	vld [tilespmem:$0x15260];
	_ =	sdelay $0x3  }
0x21: {  	v0 =	vshll.u32 v0, $0x2  }
0x22: {  	v0 =	vadd.s32 v1, v0  }
0x23: {  	[tilespmem:s25+$0xFFFFFF90] =	vst v0  }
0x24: {  	v0 =	vld [tilespmem:$0x15190];
	_ =	sdelay $0x4  }
0x25: {  	v0 =	vadd.s32 s26, v0;
	_ =	sdelay $0x4  }
0x26: {  	v0 =	vld.idx.msk [tilespmem:v0+s28+$0x0], $0xffff  }
0x27: {  	v51 =	vld [tilespmem:$0x15270];
	_ =	sdelay $0x3  }
0x28: {  	v0 =	vshll.u32 v0, $0x2  }
0x29: {  	v0 =	vadd.s32 v51, v0  }
0x2a: {  	[tilespmem:s25+$0xFFFFFFA0] =	vst v0  }
0x2b: {  	v0 =	vld [tilespmem:$0x151A0];
	_ =	sdelay $0x4  }
0x2c: {  	v0 =	vadd.s32 s26, v0;
	_ =	sdelay $0x4  }
0x2d: {  	v0 =	vld.idx.msk [tilespmem:v0+s28+$0x0], $0xffff  }
0x2e: {  	v52 =	vld [tilespmem:$0x15280];
	_ =	sdelay $0x3  }
0x2f: {  	v0 =	vshll.u32 v0, $0x2  }
0x30: {  	v0 =	vadd.s32 v52, v0  }
0x31: {  	[tilespmem:s25+$0xFFFFFFB0] =	vst v0  }
0x32: {  	v0 =	vld [tilespmem:$0x151B0];
	_ =	sdelay $0x4  }
0x33: {  	v0 =	vadd.s32 s26, v0;
	_ =	sdelay $0x4  }
0x34: {  	v0 =	vld.idx.msk [tilespmem:v0+s28+$0x0], $0xffff  }
0x35: {  	v53 =	vld [tilespmem:$0x15290];
	_ =	sdelay $0x3  }
0x36: {  	v0 =	vshll.u32 v0, $0x2  }
0x37: {  	v0 =	vadd.s32 v53, v0  }
0x38: {  	[tilespmem:s25+$0xFFFFFFC0] =	vst v0  }
0x39: {  	v0 =	vld [tilespmem:$0x151C0];
	_ =	sdelay $0x4  }
0x3a: {  	v0 =	vadd.s32 s26, v0;
	_ =	sdelay $0x4  }
0x3b: {  	v0 =	vld.idx.msk [tilespmem:v0+s28+$0x0], $0xffff  }
0x3c: {  	v54 =	vld [tilespmem:$0x152A0];
	_ =	sdelay $0x3  }
0x3d: {  	v0 =	vshll.u32 v0, $0x2  }
0x3e: {  	v0 =	vadd.s32 v54, v0  }
0x3f: {  	[tilespmem:s25+$0xFFFFFFD0] =	vst v0  }
0x40: {  	v0 =	vld [tilespmem:$0x151D0];
	_ =	sdelay $0x4  }
0x41: {  	v0 =	vadd.s32 s26, v0;
	_ =	sdelay $0x4  }
0x42: {  	v0 =	vld.idx.msk [tilespmem:v0+s28+$0x0], $0xffff  }
0x43: {  	v55 =	vld [tilespmem:$0x152B0];
	_ =	sdelay $0x3  }
0x44: {  	v0 =	vshll.u32 v0, $0x2  }
0x45: {  	v0 =	vadd.s32 v55, v0  }
0x46: {  	[tilespmem:s25+$0xFFFFFFE0] =	vst v0  }
0x47: {  	v0 =	vld [tilespmem:$0x151E0];
	_ =	sdelay $0x4  }
0x48: {  	v0 =	vadd.s32 s26, v0;
	_ =	sdelay $0x4  }
0x49: {  	v0 =	vld.idx.msk [tilespmem:v0+s28+$0x0], $0xffff  }
0x4a: {  	v56 =	vld [tilespmem:$0x152C0];
	_ =	sdelay $0x3  }
0x4b: {  	v0 =	vshll.u32 v0, $0x2  }
0x4c: {  	v0 =	vadd.s32 v56, v0  }
0x4d: {  	[tilespmem:s25+$0xFFFFFFF0] =	vst v0  }
0x4e: {  	v0 =	vld [tilespmem:$0x151F0];
	_ =	sdelay $0x4  }
0x4f: {  	v0 =	vadd.s32 s26, v0;
	_ =	sdelay $0x4  }
0x50: {  	v0 =	vld.idx.msk [tilespmem:v0+s28+$0x0], $0xffff  }
0x51: {  	v57 =	vld [tilespmem:$0x152D0];
	_ =	sdelay $0x3  }
0x52: {  	v0 =	vshll.u32 v0, $0x2  }
0x53: {  	v0 =	vadd.s32 v57, v0  }
0x54: {  	[tilespmem:s25+$0x0] =	vst v0  }
0x55: {  	v0 =	vld [tilespmem:$0x15200];
	_ =	sdelay $0x4  }
0x56: {  	v0 =	vadd.s32 s26, v0;
	_ =	sdelay $0x4  }
0x57: {  	v0 =	vld.idx.msk [tilespmem:v0+s28+$0x0], $0xffff  }
0x58: {  	v58 =	vld [tilespmem:$0x152E0];
	_ =	sdelay $0x3  }
0x59: {  	v0 =	vshll.u32 v0, $0x2  }
0x5a: {  	v0 =	vadd.s32 v58, v0  }
0x5b: {  	[tilespmem:s25+$0x10] =	vst v0  }
0x5c: {  	v0 =	vld [tilespmem:$0x15210];
	_ =	sdelay $0x4  }
0x5d: {  	v0 =	vadd.s32 s26, v0;
	_ =	sdelay $0x4  }
0x5e: {  	v0 =	vld.idx.msk [tilespmem:v0+s28+$0x0], $0xffff  }
0x5f: {  	v59 =	vld [tilespmem:$0x152F0];
	_ =	sdelay $0x3  }
0x60: {  	v0 =	vshll.u32 v0, $0x2  }
0x61: {  	v0 =	vadd.s32 v59, v0  }
0x62: {  	[tilespmem:s25+$0x20] =	vst v0  }
0x63: {  	v0 =	vld [tilespmem:$0x15220];
	_ =	sdelay $0x4  }
0x64: {  	v0 =	vadd.s32 s26, v0;
	_ =	sdelay $0x4  }
0x65: {  	v0 =	vld.idx.msk [tilespmem:v0+s28+$0x0], $0xffff  }
0x66: {  	v60 =	vld [tilespmem:$0x15300];
	_ =	sdelay $0x3  }
0x67: {  	v0 =	vshll.u32 v0, $0x2  }
0x68: {  	v0 =	vadd.s32 v60, v0  }
0x69: {  	[tilespmem:s25+$0x30] =	vst v0  }
0x6a: {  	v0 =	vld [tilespmem:$0x15230];
	_ =	sdelay $0x4  }
0x6b: {  	v0 =	vadd.s32 s26, v0;
	_ =	sdelay $0x4  }
0x6c: {  	v0 =	vld.idx.msk [tilespmem:v0+s28+$0x0], $0xffff  }
0x6d: {  	v61 =	vld [tilespmem:$0x15310];
	_ =	sdelay $0x3  }
0x6e: {  	v0 =	vshll.u32 v0, $0x2  }
0x6f: {  	v0 =	vadd.s32 v61, v0  }
0x70: {  	[tilespmem:s25+$0x40] =	vst v0  }
0x71: {  	v0 =	vld [tilespmem:$0x15240];
	_ =	sdelay $0x4  }
0x72: {  	v0 =	vadd.s32 s26, v0;
	_ =	sdelay $0x4  }
0x73: {  	v0 =	vld.idx.msk [tilespmem:v0+s28+$0x0], $0xffff  }
0x74: {  	v62 =	vld [tilespmem:$0x15320];
	_ =	sdelay $0x3  }
0x75: {  	v0 =	vshll.u32 v0, $0x2  }
0x76: {  	v0 =	vadd.s32 v62, v0  }
0x77: {  	[tilespmem:s25+$0x50] =	vst v0  }
0x78: {  	v0 =	vld [tilespmem:$0x15250];
	_ =	sdelay $0x4  }
0x79: {  	v0 =	vadd.s32 s26, v0;
	_ =	sdelay $0x4  }
0x7a: {  	v0 =	vld.idx.msk [tilespmem:v0+s28+$0x0], $0xffff  }
0x7b: {  	v63 =	vld [tilespmem:$0x15330]  }
0x7c: {  	p0 =	sne.s32 s26, $0xA1B0  }
.Ltmp0:
0x7d: {  	_ = 	snop;
	(pc) =	sbr.rel @p0 .LBB2_2-.Ltmp0, $4  }
0x7e: {  	_ = 	snop  }
0x7f: {  	v0 =	vshll.u32 v0, $0x2  }
0x80: {  	v0 =	vadd.s32 v63, v0  }
0x81: {  	s26 =	sadd.s32 $0xD0, s26;
	[tilespmem:s25+$0x60] =	vst v0;
	s25 =	sadd.s32 $0xE0, s25  }
0x82: {  	s25 =	simm.s32 $0xA280  }
0x83: {  	[tilespmem:s13], [sflag:$0x1] =	stream.indirect.gather [hbm4b:s3+s12], $0x20, s25, s12, $0xb8;
	[tilespmem:$0x1F340] =	vst v63  }
0x84: {  	s31 =	simm.s32 $0xA300  }
0x85: {  	[tilespmem:s14], [sflag:$0x1] =	stream.indirect.gather [hbm4b:s3+s12], $0x20, s31, s12, $0xb8;
	[tilespmem:$0x1F340] =	vst v63  }
0x86: {  	s26 =	simm.s32 $0xA380  }
0x87: {  	[tilespmem:s15], [sflag:$0x1] =	stream.indirect.gather [hbm4b:s3+s12], $0x20, s26, s12, $0xb8;
	[tilespmem:$0x1F340] =	vst v63  }
0x88: {  	s28 =	simm.s32 $0xA400  }
0x89: {  	[tilespmem:s16], [sflag:$0x1] =	stream.indirect.gather [hbm4b:s3+s12], $0x20, s28, s12, $0xb8;
	[tilespmem:$0x1F340] =	vst v63  }
0x8a: {  	s31 =	simm.s32 $0xA480  }
0x8b: {  	[tilespmem:s17], [sflag:$0x1] =	stream.indirect.gather [hbm4b:s3+s12], $0x20, s31, s12, $0xb8;
	[tilespmem:$0x1F340] =	vst v63  }
0x8c: {  	s26 =	simm.s32 $0xA500  }
0x8d: {  	[tilespmem:s18], [sflag:$0x1] =	stream.indirect.gather [hbm4b:s3+s12], $0x20, s26, s12, $0xb8;
	[tilespmem:$0x1F340] =	vst v63  }
0x8e: {  	s28 =	simm.s32 $0xA580  }
0x8f: {  	[tilespmem:s19], [sflag:$0x1] =	stream.indirect.gather [hbm4b:s3+s12], $0x20, s28, s12, $0xb8;
	[tilespmem:$0x1F340] =	vst v63  }
0x90: {  	s31 =	simm.s32 $0xA600  }
0x91: {  	[tilespmem:s20], [sflag:$0x1] =	stream.indirect.gather [hbm4b:s3+s12], $0x20, s31, s12, $0xb8;
	[tilespmem:$0x1F340] =	vst v63  }
0x92: {  	s26 =	simm.s32 $0xA680  }
0x93: {  	[tilespmem:s21], [sflag:$0x1] =	stream.indirect.gather [hbm4b:s3+s12], $0x20, s26, s12, $0xb8;
	[tilespmem:$0x1F340] =	vst v63  }
0x94: {  	s28 =	simm.s32 $0xA700  }
0x95: {  	[tilespmem:s22], [sflag:$0x1] =	stream.indirect.gather [hbm4b:s3+s12], $0x20, s28, s12, $0xb8;
	[tilespmem:$0x1F340] =	vst v63  }
0x96: {  	_ =	swait.ge [sflag:s23], $0x1000  }
0x97: {  	[sflag:s23] =	ssyncset.done $0x0  }
0x98: {  	[sflag:s23] =	ssyncadd.s32 $0xFFFFF000  }
0x99: {  	_ =	swait.ge [sflag:s23], $0x1000  }
0x9a: {  	[sflag:s23] =	ssyncset.done $0x0  }
0x9b: {  	[sflag:s23] =	ssyncadd.s32 $0xFFFFF000  }
0x9c: {  	_ =	swait.ge [sflag:s23], $0x1000  }
0x9d: {  	[sflag:s23] =	ssyncset.done $0x0  }
0x9e: {  	[sflag:s23] =	ssyncadd.s32 $0xFFFFF000  }
0x9f: {  	_ =	swait.ge [sflag:s23], $0x1000  }
0xa0: {  	[sflag:s23] =	ssyncset.done $0x0  }
0xa1: {  	[sflag:s23] =	ssyncadd.s32 $0xFFFFF000  }
0xa2: {  	_ =	swait.ge [sflag:s23], $0x1000  }
0xa3: {  	[sflag:s23] =	ssyncset.done $0x0  }
0xa4: {  	[sflag:s23] =	ssyncadd.s32 $0xFFFFF000  }
0xa5: {  	_ =	swait.ge [sflag:s23], $0x1000  }
0xa6: {  	[sflag:s23] =	ssyncset.done $0x0  }
0xa7: {  	[sflag:s23] =	ssyncadd.s32 $0xFFFFF000  }
0xa8: {  	_ =	swait.ge [sflag:s23], $0x1000  }
0xa9: {  	[sflag:s23] =	ssyncset.done $0x0  }
0xaa: {  	[sflag:s23] =	ssyncadd.s32 $0xFFFFF000  }
0xab: {  	_ =	swait.ge [sflag:s23], $0x1000  }
0xac: {  	[sflag:s23] =	ssyncset.done $0x0  }
0xad: {  	[sflag:s23] =	ssyncadd.s32 $0xFFFFF000  }
0xae: {  	_ =	swait.ge [sflag:s23], $0x1000  }
0xaf: {  	[sflag:s23] =	ssyncset.done $0x0  }
0xb0: {  	[sflag:s23] =	ssyncadd.s32 $0xFFFFF000  }
0xb1: {  	_ =	swait.ge [sflag:s23], $0x1000  }
0xb2: {  	[sflag:s23] =	ssyncset.done $0x0  }
0xb3: {  	s31 =	sadd.s32 $0x0, s8;
	[sflag:s23] =	ssyncadd.s32 $0xFFFFF000  }
0xb4: {  	[hbm4b:s31+s2] =	stream.linear.scatter [tilespmem:s13], [sflag:$0x2], $0xA000, $0x38;
	[tilespmem:$0x1F340] =	vst v63  }
0xb5: {  	s30 =	simm.s32 $0x2800;
	_ =	swait.ge [sflag:s10], $0xA000  }
0xb6: {  	s29 =	simm.s32 $0x500;
	s25 =	simm.s32 $0x1400;
	[sflag:s10] =	ssyncset.done $0x0  }
.LBB2_4:
0xb7: {  	s31 =	sadd.s32 $0xA280, s29  }
0xb8: {  	[sflag:s10] =	ssyncadd.s32 $0xFFFF6000;
	s28 =	smov.u32 s30;
	s26 =	sadd.s32 $0x1400, s30  }
0xb9: {  	[tilespmem:s13], [sflag:$0x1] =	stream.indirect.gather [hbm4b:s3+s12], $0x20, s31, s12, $0xb8;
	[tilespmem:$0x1F340] =	vst v63  }
0xba: {  	p0 =	sne.s32 s30, $0x2A800;
	s30 =	sadd.s32 $0xA300, s29  }
0xbb: {  	[tilespmem:s14], [sflag:$0x1] =	stream.indirect.gather [hbm4b:s3+s12], $0x20, s30, s12, $0xb8;
	[tilespmem:$0x1F340] =	vst v63  }
0xbc: {  	s30 =	sadd.s32 $0xA380, s29  }
0xbd: {  	[tilespmem:s15], [sflag:$0x1] =	stream.indirect.gather [hbm4b:s3+s12], $0x20, s30, s12, $0xb8;
	[tilespmem:$0x1F340] =	vst v63  }
0xbe: {  	s30 =	sadd.s32 $0xA400, s29  }
0xbf: {  	[tilespmem:s16], [sflag:$0x1] =	stream.indirect.gather [hbm4b:s3+s12], $0x20, s30, s12, $0xb8;
	[tilespmem:$0x1F340] =	vst v63  }
0xc0: {  	s30 =	sadd.s32 $0xA480, s29  }
0xc1: {  	[tilespmem:s17], [sflag:$0x1] =	stream.indirect.gather [hbm4b:s3+s12], $0x20, s30, s12, $0xb8;
	[tilespmem:$0x1F340] =	vst v63  }
0xc2: {  	s30 =	sadd.s32 $0xA500, s29  }
0xc3: {  	[tilespmem:s18], [sflag:$0x1] =	stream.indirect.gather [hbm4b:s3+s12], $0x20, s30, s12, $0xb8;
	[tilespmem:$0x1F340] =	vst v63  }
0xc4: {  	s30 =	sadd.s32 $0xA580, s29  }
0xc5: {  	[tilespmem:s19], [sflag:$0x1] =	stream.indirect.gather [hbm4b:s3+s12], $0x20, s30, s12, $0xb8;
	[tilespmem:$0x1F340] =	vst v63  }
0xc6: {  	s30 =	sadd.s32 $0xA600, s29  }
0xc7: {  	[tilespmem:s20], [sflag:$0x1] =	stream.indirect.gather [hbm4b:s3+s12], $0x20, s30, s12, $0xb8;
	[tilespmem:$0x1F340] =	vst v63  }
0xc8: {  	s30 =	sadd.s32 $0xA680, s29  }
0xc9: {  	[tilespmem:s21], [sflag:$0x1] =	stream.indirect.gather [hbm4b:s3+s12], $0x20, s30, s12, $0xb8;
	[tilespmem:$0x1F340] =	vst v63  }
0xca: {  	s29 =	sadd.s32 $0xA700, s29  }
0xcb: {  	[tilespmem:s22], [sflag:$0x1] =	stream.indirect.gather [hbm4b:s3+s12], $0x20, s29, s12, $0xb8;
	[tilespmem:$0x1F340] =	vst v63  }
0xcc: {  	_ =	swait.ge [sflag:s23], $0x1000  }
0xcd: {  	[sflag:s23] =	ssyncset.done $0x0  }
0xce: {  	[sflag:s23] =	ssyncadd.s32 $0xFFFFF000  }
0xcf: {  	_ =	swait.ge [sflag:s23], $0x1000  }
0xd0: {  	[sflag:s23] =	ssyncset.done $0x0  }
0xd1: {  	[sflag:s23] =	ssyncadd.s32 $0xFFFFF000  }
0xd2: {  	_ =	swait.ge [sflag:s23], $0x1000  }
0xd3: {  	[sflag:s23] =	ssyncset.done $0x0  }
0xd4: {  	[sflag:s23] =	ssyncadd.s32 $0xFFFFF000  }
0xd5: {  	_ =	swait.ge [sflag:s23], $0x1000  }
0xd6: {  	[sflag:s23] =	ssyncset.done $0x0  }
0xd7: {  	[sflag:s23] =	ssyncadd.s32 $0xFFFFF000  }
0xd8: {  	_ =	swait.ge [sflag:s23], $0x1000  }
0xd9: {  	[sflag:s23] =	ssyncset.done $0x0  }
0xda: {  	[sflag:s23] =	ssyncadd.s32 $0xFFFFF000  }
0xdb: {  	_ =	swait.ge [sflag:s23], $0x1000  }
0xdc: {  	[sflag:s23] =	ssyncset.done $0x0  }
0xdd: {  	[sflag:s23] =	ssyncadd.s32 $0xFFFFF000  }
0xde: {  	_ =	swait.ge [sflag:s23], $0x1000  }
0xdf: {  	[sflag:s23] =	ssyncset.done $0x0  }
0xe0: {  	[sflag:s23] =	ssyncadd.s32 $0xFFFFF000  }
0xe1: {  	_ =	swait.ge [sflag:s23], $0x1000  }
0xe2: {  	[sflag:s23] =	ssyncset.done $0x0  }
0xe3: {  	[sflag:s23] =	ssyncadd.s32 $0xFFFFF000  }
0xe4: {  	_ =	swait.ge [sflag:s23], $0x1000  }
0xe5: {  	[sflag:s23] =	ssyncset.done $0x0  }
0xe6: {  	[sflag:s23] =	ssyncadd.s32 $0xFFFFF000  }
0xe7: {  	_ =	swait.ge [sflag:s23], $0x1000  }
.Ltmp1:
0xe8: {  	[sflag:s23] =	ssyncset.done $0x0;
	(pc) =	sbr.rel @p0 .LBB2_4-.Ltmp1, $4  }
0xe9: {  	s29 =	sadd.s32 s25, s8;
	s25 =	smov.u32 s28;
	[sflag:s23] =	ssyncadd.s32 $0xFFFFF000  }
0xea: {  	[hbm4b:s29+s2] =	stream.linear.scatter [tilespmem:s13], [sflag:$0x2], $0xA000, $0x38;
	[tilespmem:$0x1F340] =	vst v63  }
0xeb: {  	_ =	swait.ge [sflag:s10], $0xA000  }
0xec: {  	s30 =	smov.u32 s26;
	s29 =	sshra.s32 s25, $0x2;
	[sflag:s10] =	ssyncset.done $0x0  }
0xed: {  	s26 =	sadd.s32 $0xA280, s29;
	[sflag:s10] =	ssyncadd.s32 $0xFFFF6000  }
0xee: {  	[tilespmem:s13], [sflag:$0x1] =	stream.indirect.gather [hbm4b:s3+s12], $0x20, s26, s12, $0xb8;
	[tilespmem:$0x1F340] =	vst v63  }
0xef: {  	s28 =	sadd.s32 $0xA300, s29  }
0xf0: {  	[tilespmem:s14], [sflag:$0x1] =	stream.indirect.gather [hbm4b:s3+s12], $0x20, s28, s12, $0xb8;
	[tilespmem:$0x1F340] =	vst v63  }
0xf1: {  	s30 =	sadd.s32 $0xA380, s29  }
0xf2: {  	[tilespmem:s15], [sflag:$0x1] =	stream.indirect.gather [hbm4b:s3+s12], $0x20, s30, s12, $0xb8;
	[tilespmem:$0x1F340] =	vst v63  }
0xf3: {  	s31 =	sadd.s32 $0xA400, s29  }
0xf4: {  	[tilespmem:s16], [sflag:$0x1] =	stream.indirect.gather [hbm4b:s3+s12], $0x20, s31, s12, $0xb8;
	[tilespmem:$0x1F340] =	vst v63  }
0xf5: {  	s28 =	sadd.s32 $0xA480, s29  }
0xf6: {  	[tilespmem:s17], [sflag:$0x1] =	stream.indirect.gather [hbm4b:s3+s12], $0x20, s28, s12, $0xb8;
	[tilespmem:$0x1F340] =	vst v63  }
0xf7: {  	s30 =	sadd.s32 $0xA500, s29  }
0xf8: {  	[tilespmem:s18], [sflag:$0x1] =	stream.indirect.gather [hbm4b:s3+s12], $0x20, s30, s12, $0xb8;
	[tilespmem:$0x1F340] =	vst v63  }
0xf9: {  	s31 =	sadd.s32 $0xA580, s29  }
0xfa: {  	[tilespmem:s19], [sflag:$0x1] =	stream.indirect.gather [hbm4b:s3+s12], $0x20, s31, s12, $0xb8;
	[tilespmem:$0x1F340] =	vst v63  }
0xfb: {  	s28 =	sadd.s32 $0xA600, s29  }
0xfc: {  	[tilespmem:s20], [sflag:$0x1] =	stream.indirect.gather [hbm4b:s3+s12], $0x20, s28, s12, $0xb8;
	[tilespmem:$0x1F340] =	vst v63  }
0xfd: {  	s30 =	sadd.s32 $0xA680, s29  }
0xfe: {  	[tilespmem:s21], [sflag:$0x1] =	stream.indirect.gather [hbm4b:s3+s12], $0x20, s30, s12, $0xb8;
	[tilespmem:$0x1F340] =	vst v63  }
0xff: {  	s31 =	sadd.s32 $0xA700, s29  }
0x100: {  	[tilespmem:s22], [sflag:$0x1] =	stream.indirect.gather [hbm4b:s3+s12], $0x20, s31, s12, $0xb8;
	[tilespmem:$0x1F340] =	vst v63  }
0x101: {  	_ =	swait.ge [sflag:s23], $0x1000  }
0x102: {  	[sflag:s23] =	ssyncset.done $0x0  }
0x103: {  	[sflag:s23] =	ssyncadd.s32 $0xFFFFF000  }
0x104: {  	_ =	swait.ge [sflag:s23], $0x1000  }
0x105: {  	[sflag:s23] =	ssyncset.done $0x0  }
0x106: {  	[sflag:s23] =	ssyncadd.s32 $0xFFFFF000  }
0x107: {  	_ =	swait.ge [sflag:s23], $0x1000  }
0x108: {  	[sflag:s23] =	ssyncset.done $0x0  }
0x109: {  	[sflag:s23] =	ssyncadd.s32 $0xFFFFF000  }
0x10a: {  	_ =	swait.ge [sflag:s23], $0x1000  }
0x10b: {  	[sflag:s23] =	ssyncset.done $0x0  }
0x10c: {  	[sflag:s23] =	ssyncadd.s32 $0xFFFFF000  }
0x10d: {  	_ =	swait.ge [sflag:s23], $0x1000  }
0x10e: {  	[sflag:s23] =	ssyncset.done $0x0  }
0x10f: {  	[sflag:s23] =	ssyncadd.s32 $0xFFFFF000  }
0x110: {  	_ =	swait.ge [sflag:s23], $0x1000  }
0x111: {  	[sflag:s23] =	ssyncset.done $0x0  }
0x112: {  	[sflag:s23] =	ssyncadd.s32 $0xFFFFF000  }
0x113: {  	_ =	swait.ge [sflag:s23], $0x1000  }
0x114: {  	[sflag:s23] =	ssyncset.done $0x0  }
0x115: {  	[sflag:s23] =	ssyncadd.s32 $0xFFFFF000  }
0x116: {  	_ =	swait.ge [sflag:s23], $0x1000  }
0x117: {  	[sflag:s23] =	ssyncset.done $0x0  }
0x118: {  	[sflag:s23] =	ssyncadd.s32 $0xFFFFF000  }
0x119: {  	_ =	swait.ge [sflag:s23], $0x1000  }
0x11a: {  	[sflag:s23] =	ssyncset.done $0x0  }
0x11b: {  	[sflag:s23] =	ssyncadd.s32 $0xFFFFF000  }
0x11c: {  	s24 =	sadd.s32 $0x1, s24;
	_ =	swait.ge [sflag:s23], $0x1000  }
0x11d: {  	p0 =	sne.s32 s24, s7;
	[sflag:s23] =	ssyncset.done $0x0  }
.Ltmp2:
0x11e: {  	s25 =	sadd.s32 s25, s8;
	[sflag:s23] =	ssyncadd.s32 $0xFFFFF000;
	(pc) =	sbr.rel @p0 .LBB2_1-.Ltmp2, $4  }
0x11f: {  	[hbm4b:s25+s2] =	stream.linear.scatter [tilespmem:s13], [sflag:$0x2], $0xA000, $0x38;
	[tilespmem:$0x1F340] =	vst v63  }
0x120: {  	_ =	swait.ge [sflag:s10], $0xA000  }
0x121: {  	[sflag:s10] =	ssyncset.done $0x0  }
0x122: {  	[sflag:s10] =	ssyncadd.s32 $0xFFFF6000  }
0x123: {  	_ =	sfence.sel $0x180000  }
0x124: {  	[bflag:$0x0] =	sbarrier.arrive $0xFFFF  }
0x125: {  	p0 =	sne.s32 s1, $0x0;
	_ =	strace $0x9000004A  }
0x126: {  	s0 =	sadd.s32 @!p0 $0x100000, s0;
	[bflag:$0x2] =	sbarrier.arrive $0xFFFF  }
0x127: {  	[sflag:s0] =	ssyncadd.tile.s32 @!p0 $0x1;
	_ =	shalt  }
.Lfunc_end2:
_tile_overlayer_lowered:
.L_overlay_start_2:
0x128: {  	(tag) =	ssettag $0x2  }
0x129: {  	s0 =	rddreg [dreg:$0x0];
	s2 =	stileid.u32  }
0x12a: {  	s1 =	rddreg [dreg:$0x1];
	p0 =	sne.s32 s2, $0x0  }
0x12b: {  	s3 =	rddreg [dreg:$0x2];
	[bflag:$0x3] =	sbarrier.arrive $0xFFFF;
	s2 =	simm.s32 @!p0 $0x1C02  }
0x12c: {  	[timem:s3], [sflag:s2] =	dma.local @!p0 [hbm:s0], s1  }
0x12d: {  	s0 =	simm.s32 @!p0 $0x2  }
0x12e: {  	_ =	swait.ge @!p0 [sflag:s0], s1  }
0x12f: {  	s1 =	ssub.s32 @!p0 $0x0, s1;
	[sflag:s0] =	ssyncset.done @!p0 $0x0  }
0x130: {  	[sflag:s0] =	ssyncadd.s32 @!p0 s1  }
0x131: {  	[bflag:$0x3] =	sbarrier.arrive $0xFFFF  }
0x132: {  	_ =	shalt  }

// kernel: sparse-core-data-format-call.cloned.1.call-start
scs
called_computation_lowered:
.L_overlay_start_0:
0x0: {  	s2 =	sld [smem:$0x3FD9]  }
0x1: {  	s3 =	sld [smem:$0x3FFE];
	_ =	sdelay $0x1  }
0x2: {  	s1 =	srdreg.scid  }
0x3: {  	s0 =	sand.u32 $0x1, s1  }
0x4: {  	s18 =	sshll.u32 s0, $0xA;
	s2 =	sadd.s32 s3, s2  }
0x5: {  	s2 =	sadd.s32 s2, s18  }
0x6: {  	[smem:$0x3FC4] =	sst s2  }
0x7: {  	_ = 	snop  }
0x8: {  	s2 =	sld [smem:$0x3FC8];
	(tm) =	ssettm $0x1  }
0x9: {  	s19 =	sld [smem:$0x3FFB];
	_ =	sdelay $0x3  }
0xa: {  	_ =	strace s19  }
0xb: {  	s3 =	sld [smem:$0x3FFC];
	_ =	sdelay $0x3  }
0xc: {  	_ =	strace s3  }
0xd: {  	s3 =	sld [smem:$0x3FFD];
	_ =	sdelay $0x3  }
0xe: {  	_ =	strace s3  }
0xf: {  	_ =	strace $0x8FFFFFFF  }
0x10: {  	s20 =	sld [smem:$0x3FDB];
	_ =	sdelay $0x1  }
0x11: {  	s4 =	simm.s32 $_scs_section_size  }
0x12: {  	s5 =	simm.s32 $_size__tile_overlayer_lowered;
	s6 =	simm.s32 $_tile_overlayer_lowered  }
0x13: {  	s23 =	simm.s32 $0x1BFF;
	s22 =	sshll.u32 s6, $0x1;
	s3 =	sadd.s32 s4, s20  }
0x14: {  	s7 =	simm.s32 $0x0;
	s21 =	sshll.u32 s5, $0x1;
	s5 =	sadd.s32 s22, s3  }
0x15: {  	[timem:s7], [sflag:s23] =	dma.local [hbm:s5], s21  }
0x16: {  	_ =	swait.ge [sflag:s23], s21  }
0x17: {  	s4 =	ssub.s32 $0x0, s21;
	[sflag:s23] =	ssyncset.done $0x0  }
0x18: {  	[sflag:s23] =	ssyncadd.s32 s4;
	_ =	sdelay $0x1  }
0x19: {  	s24 =	simm.s32 $0x1B8B  }
0x1a: {  	_ =	swait.ge [sflag:s24], $0x1  }
0x1b: {  	[sflag:s24] =	ssyncset.done $0x0  }
0x1c: {  	s26 =	simm.s32 $0x1B8E;
	s25 =	sld [smem:$0x3FFE];
	[sflag:s24] =	ssyncadd.s32 $0xFFFFFFFF  }
0x1d: {  	s27 =	simm.s32 $execute0_lowered;
	[smem:$0x3FD2] =	sst s26  }
0x1e: {  	s5 =	sshll.u32 s27, $0x1;
	_ =	strace $0x80000046;
	[dreg:$0x1] =	wrdreg $0xFFFFFFFF  }
0x1f: {  	s28 =	simm.s32 $_size_execute0_lowered;
	s3 =	sadd.s32 s3, s5;
	[dreg:$0x0] =	wrdreg $0x0  }
0x20: {  	s5 =	sshll.u32 s28, $0x1;
	[dreg:$0x2] =	wrdreg s3  }
0x21: {  	[dreg:$0x3] =	wrdreg s5  }
0x22: {  	[dreg:$0x4] =	wrdreg $0xC0  }
0x23: {  	_ =	task [dreg:s7], $0x5FFFF  }
0x24: {  	[dreg:$0x1] =	wrdreg $0xFFFFFFFF  }
0x25: {  	[dreg:$0x0] =	wrdreg $0x60  }
0x26: {  	[dreg:$0x2] =	wrdreg s2  }
0x27: {  	[dreg:$0x3] =	wrdreg s25  }
0x28: {  	[dreg:$0x4] =	wrdreg $0x9  }
0x29: {  	_ =	task.clear_ibuf [dreg:s7], $0x5FFFF;
	_ =	strace $0x90000046  }
0x2a: {  	s29 =	simm.s32 $0x9;
	_ =	strace $0x80000048  }
0x2b: {  	_ =	swait.ge [sflag:s29], $0x1  }
0x2c: {  	[sflag:s29] =	ssyncadd.s32 $0xFFFFFFFF  }
0x2d: {  	_ =	strace $0x90000048  }
0x2e: {  	_ =	sfence  }
0x2f: {  	s30 =	sld [smem:$0x0];
	_ =	sdelay $0x2  }
0x30: {  	s31 =	sshll.u32 s1, $0xD;
	s1 =	sshrl.u32 s1, $0x2  }
0x31: {  	s3 =	sand.u32 $0x4000, s31;
	s1 =	sadd.s32 s1, s30  }
0x32: {  	s0 =	sor.u32 s3, s0;
	s1 =	sshll.u32 s1, $0x11  }
0x33: {  	s0 =	sor.u32 s1, s0  }
0x34: {  	s0 =	sadd.s32 $0x8F2B, s0  }
0x35: {  	[sflag:s0] =	ssyncadd.remote.s32 $0x1  }
0x36: {  	_ =	sfence.sel $0xFFFF  }
0x37: {  	[dreg:$0x0] =	wrdreg $0xFFFFFFFF;
	(pc) =	sbr.abs _section_cstart, $3  }
0x38: {  	[dreg:$0x1] =	wrdreg $0xFFFFFFFF  }
0x39: {  	_ =	task.clear_ibuf [dreg:s7], $0x2FFFF;
	_ =	strace $0x9FFFFFFF  }
0x3a: {  	(tm) =	ssettm $0x7FFFFFFF  }
0x3b: {  	_ =	shalt  }
tec
execute0_lowered:
.L_overlay_start_1:
0x0: {  	(tag) =	ssettag $0x1  }
0x1: {  	s2 =	rddreg [dreg:$0x0]  }
0x2: {  	s0 =	srdreg.scid;
	s5 =	rddreg [dreg:$0x1]  }
0x3: {  	s31 =	simm.s32 $0x2;
	s16 =	simm.s32 $0x0;
	p0 =	por $0x0, $0x0  }
0x4: {  	s8 =	simm.s32 $0x80;
	s17 =	simm.s32 $0x0;
	s1 =	sshll.u32 s0, $0x4  }
0x5: {  	s18 =	simm.s32 $0x0;
	s0 =	stileid.u32;
	s1 =	sand.u32 $0x10, s1  }
0x6: {  	s9 =	simm.s32 $0x0;
	s10 =	simm.s32 $0x0;
	s1 =	sor.u32 s0, s1  }
0x7: {  	s11 =	simm.s32 $0x0;
	s13 =	simm.s32 $0x0;
	s3 =	sshll.u32 s1, $0x8  }
.Ltmp0:
0x8: {  	s14 =	simm.s32 $0x0;
	s4 =	ssub.s32 $0x18600, s3;
	(pc) =	sbr.rel .LBB1_1-.Ltmp0, $4  }
0x9: {  	s15 =	simm.s32 $0x0;
	s1 =	rddreg [dreg:$0x2];
	s6 =	sshrl.u32 s4, $0xD  }
0xa: {  	_ =	strace $0x80000047;
	s4 =	simm.s32 $0x1;
	s7 =	smul.u32 $0x1A, s6  }
0xb: {  	s5 =	sadd.s32 $0x1000, s5;
	s12 =	smov.u32 s3;
	[sflag:s4] =	ssyncpa.u1 $0x0  }
0xc: {  	[sflag:s31] =	ssyncpa.u1 $0x0;
	s6 =	sadd.s32 $0x1A, s7;
	s7 =	sadd.s32 $0x1B, s7  }
.LBB1_5:
0xd: {  	p1 =	slt.u32 s15, $0x2  }
0xe: {  	s19 =	smov.u32 s18;
	p2 =	sgt.s32 @!p1 s18, $0x19  }
0xf: {  	s20 =	sshra.s32 @!p1 s18, $0x1F;
	p3 =	sgt.s32 @!p1 s16, $0x185A0;
	p4 =	sgt.s32 @!p1 s17, $0x60  }
0x10: {  	s21 =	sshra.s32 @!p1 s17, $0x1F;
	p2 =	por !p2, p1;
	s18 =	sand.u32 @!p1 s20, s18  }
0x11: {  	p4 =	por !p4, p1;
	s20 =	smov.u32 s17;
	s19 =	simm.s32 @p2 $0x19  }
0x12: {  	s17 =	sand.u32 @!p1 s21, s17;
	s20 =	simm.s32 @p4 $0x60;
	s18 =	ssub.s32 @!p1 s19, s18  }
0x13: {  	p3 =	por !p3, p1;
	s17 =	ssub.s32 @!p1 s20, s17;
	s19 =	sadd.s32 @!p1 $0xFFFFFFE7, s18  }
0x14: {  	s20 =	sshra.s32 @!p1 s16, $0x1F;
	s18 =	ssub.s32 @!p1 $0x1A, s18;
	p2 =	sgt.s32 @!p1 s19, $0x0  }
0x15: {  	s19 =	smov.u32 s16;
	s16 =	sand.u32 @!p1 s20, s16;
	s20 =	sadd.s32 @!p1 $0xFFFFFFA0, s17  }
0x16: {  	s17 =	ssub.s32 @!p1 $0x80, s17;
	s19 =	simm.s32 @p3 $0x185A0;
	p2 =	por !p2, p1  }
0x17: {  	s18 =	simm.s32 @!p2 $0x0;
	s16 =	ssub.s32 @!p1 s19, s16;
	p2 =	sgt.s32 @!p1 s20, $0x1F  }
0x18: {  	s20 =	smov.u32 s13;
	s19 =	sadd.s32 @!p1 $0xFFFE7A60, s16;
	p2 =	por !p2, p1  }
0x19: {  	s16 =	ssub.s32 @!p1 $0x186A0, s16;
	s17 =	simm.s32 @!p2 $0x0;
	p2 =	sgt.s32 @!p1 s19, $0xFF  }
0x1a: {  	s19 =	sadd.s32 $0x2000, s12;
	p2 =	por !p2, p1;
	s17 =	smul.u32 @!p1 s18, s17  }
0x1b: {  	s18 =	sadd.s32 $0x20, s13;
	s16 =	simm.s32 @!p2 $0x0;
	p2 =	sgt.s32 s19, $0x1869F  }
0x1c: {  	s16 =	smul.u32 @!p1 s16, s17;
	s20 =	smov.u32 @p2 s18  }
0x1d: {  	s19 =	smov.u32 @p2 s3;
	s17 =	simm.s32 $0x1;
	p2 =	sgt.s32 s20, $0x1F  }
0x1e: {  	s17 =	simm.s32 @!p2 $0x0  }
0x1f: {  	p0 =	por !p0, !p0;
	s23 =	sadd.s32 s17, s14  }
0x20: {  	s21 =	simm.s32 @!p1 $0x2;
	s20 =	simm.s32 @p2 $0x0;
	p2 =	sgt.s32 s23, $0x19  }
0x21: {  	s18 =	smov.u32 s11;
	s23 =	simm.s32 @p2 $0x0;
	p2 =	sne.s32 s15, s7  }
.Ltmp1:
0x22: {  	s11 =	smov.u32 s14;
	s16 =	sand.u32 @!p1 $0x3FFFFFFF, s16;
	(pc) =	sbr.rel @!p2 .LBB1_6-.Ltmp1, $4  }
0x23: {  	_ =	swait.ge @!p1 [sflag:s21], s16;
	s22 =	ssub.s32 @!p1 $0x0, s16;
	s16 =	smov.u32 s9  }
0x24: {  	s17 =	smov.u32 s10;
	s9 =	smov.u32 s12;
	s10 =	smov.u32 s13  }
0x25: {  	s12 =	smov.u32 s19;
	s13 =	smov.u32 s20;
	[sflag:s21] =	ssyncset.done @!p1 $0x0  }
0x26: {  	s15 =	sadd.s32 $0x1, s15;
	[sflag:s21] =	ssyncadd.s32 @!p1 s22;
	s14 =	smov.u32 s23  }
.LBB1_1:
0x27: {  	p1 =	sge.u32 s15, s6  }
0x28: {  	s19 =	sshrl.u32 @!p1 s13, $0x3  }
0x29: {  	s20 =	sshll.u32 @!p1 s12, $0x3;
	s19 =	smul.u32 @!p1 $0xC3800, s19  }
0x2a: {  	s21 =	sshll.u32 @!p1 s13, $0x7;
	s20 =	sand.u32 @!p1 $0xFFFFFC00, s20  }
0x2b: {  	s19 =	sadd.s32 @!p1 s19, s20;
	s20 =	sand.u32 @!p1 $0x380, s21  }
0x2c: {  	s21 =	sand.u32 @!p1 $0x7F, s12;
	s19 =	sor.u32 @!p1 s20, s19  }
0x2d: {  	s20 =	sor.u32 @!p1 s21, s19  }
0x2e: {  	s21 =	smulhi.u32 @!p1 $0xA79C7B17, s20  }
0x2f: {  	s19 =	smulhi.u32 @!p1 $0xA79C7B17, s19  }
0x30: {  	s21 =	sshrl.u32 @!p1 s21, $0x10  }
0x31: {  	s19 =	sshrl.u32 @!p1 s19, $0x10;
	s21 =	smul.u32 @!p1 $0x18700, s21  }
0x32: {  	s22 =	sxor.u32 @!p1 $0xFFFFFFFF, s15;
	s23 =	smul.u32 @!p1 $0x61C00, s14;
	s19 =	sand.u32 @!p1 $0x1F, s19  }
0x33: {  	s22 =	sshll.u32 @!p1 s22, $0xD;
	s19 =	smul.u32 @!p1 $0x30E0, s19;
	s20 =	ssub.s32 @!p1 s20, s21  }
0x34: {  	s21 =	sand.u32 @!p1 $0x2000, s22;
	s22 =	sadd.s32 @!p1 s2, s23;
	s23 =	sand.u32 @!p1 $0x7, s20  }
0x35: {  	s20 =	sshrl.u32 @!p1 s20, $0x3;
	s19 =	sadd.s32 @!p1 s19, s22;
	s22 =	sshll.u32 @!p1 s23, $0x12  }
0x36: {  	s19 =	sadd.s32 @!p1 s20, s19;
	s20 =	sor.u32 @!p1 $0x800, s22;
	s22 =	simm.s32 @!p1 $0xC3800  }
0x37: {  	[tilespmem:s21], [sflag:$0x1] =	stream.strided.gather @!p1 [hbm4b:s19+s20], $0x2000, s22, s20, $0x38;
	[tilespmem:$0x8200] =	vst v63  }
0x38: {  	p1 =	seq.s32 s15, $0x0  }
0x39: {  	p2 =	sge.u32 @!p1 s15, s7  }
0x3a: {  	p1 =	por p1, p2  }
.Ltmp2:
0x3b: {  	_ = 	snop;
	(pc) =	sbr.rel @p1 .LBB1_5-.Ltmp2, $1  }
0x3c: {  	_ =	sdelay $0x3  }
0x3d: {  	s21 =	simm.s32 $0x0  }
0x3e: {  	s22 =	sand.u32 $0x1800, s21;
	s23 =	sand.u32 $0x380, s21  }
0x3f: {  	s19 =	sand.u32 $0x1, s15;
	s23 =	sor.u32 s23, s22  }
0x40: {  	_ =	swait.ge [sflag:s4], $0x2000;
	s20 =	sshll.u32 s19, $0xD;
	s22 =	sand.u32 $0x1B00, s23  }
0x41: {  	[sflag:s4] =	ssyncset.done $0x0;
	s21 =	sand.u32 $0x80, s21;
	s22 =	sadd.s32 s22, s20  }
0x42: {  	[sflag:s4] =	ssyncadd.s32 $0xFFFFE000;
	s25 =	sadd.s32 s21, s22  }
0x43: {  	v4 =	vld [tilespmem:s25+$0x400]  }
0x44: {  	s24 =	simm.s32 $0x1;
	v5 =	vld [tilespmem:s25+$0x0]  }
0x45: {  	s24 =	simm.s32 @!p0 $0x0;
	v6 =	vld [tilespmem:s25+$0x10]  }
0x46: {  	v0 =	vmov s20;
	s31 =	smul.u32 $0x8400, s24;
	v7 =	vld [tilespmem:s25+$0x20]  }
0x47: {  	v9 =	vld [tilespmem:s25+$0x30]  }
0x48: {  	s21 =	sshrl.u32 s31, $0x2;
	v10 =	vld [tilespmem:s25+$0x40]  }
0x49: {  	s21 =	sor.u32 $0x4000, s21;
	v11 =	vld [tilespmem:s25+$0x50]  }
0x4a: {  	v8 =	vld [tilespmem:s25+$0x60];
	s22 =	sadd.s32 $0x0, s21  }
0x4b: {  	v1 =	vld.idx.msk [tilespmem:v0+s23+$0x410 ss:$0x1], $0xffff;
	[tilespmem:s22+$0x1080 ss:$0x21] =	vst.msk $0xffff, v4  }
0x4c: {  	v2 =	vld.idx.msk [tilespmem:v0+s23+$0x420 ss:$0x1], $0xffff;
	[tilespmem:s22+$0x0 ss:$0x21] =	vst.msk $0xffff, v5  }
0x4d: {  	v3 =	vld.idx.msk [tilespmem:v0+s23+$0x430 ss:$0x1], $0xffff;
	[tilespmem:s22+$0x210 ss:$0x21] =	vst.msk $0xffff, v6  }
0x4e: {  	s19 =	smul.u32 $0x8400, s19;
	[tilespmem:s22+$0x420 ss:$0x21] =	vst.msk $0xffff, v7;
	v7 =	vld [tilespmem:s25+$0x70]  }
0x4f: {  	s26 =	simm.s32 $0x80;
	s27 =	simm.s32 $0x8;
	[tilespmem:s22+$0x630 ss:$0x21] =	vst.msk $0xffff, v9;
	v4 =	vld.idx.msk [tilespmem:v0+s23+$0x440 ss:$0x1], $0xffff  }
0x50: {  	s29 =	sand.u32 $0x380, s26;
	s19 =	sshrl.u32 s19, $0x2;
	[tilespmem:s22+$0x840 ss:$0x21] =	vst.msk $0xffff, v10;
	v5 =	vld.idx.msk [tilespmem:v0+s23+$0x450 ss:$0x1], $0xffff;
	s25 =	simm.s32 $0x100  }
0x51: {  	s24 =	simm.s32 $0x4;
	s19 =	sor.u32 $0x4000, s19;
	[tilespmem:s22+$0xA50 ss:$0x21] =	vst.msk $0xffff, v11;
	v6 =	vld.idx.msk [tilespmem:v0+s23+$0x460 ss:$0x1], $0xffff;
	s28 =	sand.u32 $0x1800, s25  }
.LBB1_3:
0x52: {  	p1 =	sne.s32 s27, $0x7C;
	[tilespmem:s22+$0xC60 ss:$0x21] =	vst.msk $0xffff, v8;
	v8 =	vld.idx.msk [tilespmem:v0+s23+$0x470 ss:$0x1], $0xffff;
	s23 =	sor.u32 s29, s28  }
0x53: {  	s28 =	sand.u32 $0x1B00, s23;
	v9 =	vld.idx.msk [tilespmem:v0+s23+$0x410 ss:$0x1], $0xffff;
	[tilespmem:s22+$0xE70 ss:$0x21] =	vst.msk $0xffff, v7  }
0x54: {  	s29 =	sand.u32 $0x80, s26;
	s28 =	sadd.s32 s28, s20;
	v7 =	vld.idx.msk [tilespmem:v0+s23+$0x420 ss:$0x1], $0xffff;
	[tilespmem:s22+$0x1290 ss:$0x21] =	vst.msk $0xffff, v1  }
0x55: {  	s28 =	sadd.s32 s29, s28;
	v10 =	vld.idx.msk [tilespmem:v0+s23+$0x430 ss:$0x1], $0xffff;
	[tilespmem:s22+$0x14A0 ss:$0x21] =	vst.msk $0xffff, v2  }
0x56: {  	v11 =	vld [tilespmem:s28+$0x400];
	[tilespmem:s22+$0x16B0 ss:$0x21] =	vst.msk $0xffff, v3  }
0x57: {  	v12 =	vld [tilespmem:s28+$0x0];
	[tilespmem:s22+$0x18C0 ss:$0x21] =	vst.msk $0xffff, v4  }
0x58: {  	v4 =	vld [tilespmem:s28+$0x10];
	[tilespmem:s22+$0x1AD0 ss:$0x21] =	vst.msk $0xffff, v5  }
0x59: {  	s29 =	sshra.s32 s24, $0x2;
	s24 =	smov.u32 s27;
	v1 =	vmov v9;
	v5 =	vld [tilespmem:s28+$0x20];
	[tilespmem:s22+$0x1CE0 ss:$0x21] =	vst.msk $0xffff, v6  }
0x5a: {  	v2 =	vmov v7;
	v6 =	vld [tilespmem:s28+$0x30];
	[tilespmem:s22+$0x1EF0 ss:$0x21] =	vst.msk $0xffff, v8;
	s22 =	sadd.s32 s29, s21  }
0x5b: {  	v3 =	vmov v10;
	v9 =	vld [tilespmem:s28+$0x40];
	[tilespmem:s22+$0x1080 ss:$0x21] =	vst.msk $0xffff, v11  }
0x5c: {  	[tilespmem:s22+$0x0 ss:$0x21] =	vst.msk $0xffff, v12;
	v10 =	vld [tilespmem:s28+$0x50]  }
.Ltmp3:
0x5d: {  	[tilespmem:s22+$0x210 ss:$0x21] =	vst.msk $0xffff, v4;
	v8 =	vld [tilespmem:s28+$0x60];
	(pc) =	sbr.rel @p1 .LBB1_3-.Ltmp3, $4  }
0x5e: {  	[tilespmem:s22+$0x420 ss:$0x21] =	vst.msk $0xffff, v5;
	v7 =	vld [tilespmem:s28+$0x70]  }
0x5f: {  	[tilespmem:s22+$0x630 ss:$0x21] =	vst.msk $0xffff, v6;
	v4 =	vld.idx.msk [tilespmem:v0+s23+$0x440 ss:$0x1], $0xffff  }
0x60: {  	s26 =	sadd.s32 $0x80, s26;
	s25 =	sadd.s32 $0x100, s25;
	[tilespmem:s22+$0x840 ss:$0x21] =	vst.msk $0xffff, v9;
	v5 =	vld.idx.msk [tilespmem:v0+s23+$0x450 ss:$0x1], $0xffff  }
0x61: {  	s27 =	sadd.s32 $0x4, s27;
	s29 =	sand.u32 $0x380, s26;
	s28 =	sand.u32 $0x1800, s25;
	[tilespmem:s22+$0xA50 ss:$0x21] =	vst.msk $0xffff, v10;
	v6 =	vld.idx.msk [tilespmem:v0+s23+$0x460 ss:$0x1], $0xffff  }
0x62: {  	_ =	sdelay $0x3  }
0x63: {  	s25 =	sor.u32 s29, s28;
	v47 =	vld.idx.msk [tilespmem:v0+s23+$0x470 ss:$0x1], $0xffff  }
0x64: {  	[tilespmem:s22+$0xC60 ss:$0x21] =	vst.msk $0xffff, v8;
	v57 =	vld.idx.msk [tilespmem:v0+s25+$0x410 ss:$0x1], $0xffff  }
0x65: {  	[tilespmem:s22+$0x1290 ss:$0x21] =	vst.msk $0xffff, v1;
	v58 =	vld.idx.msk [tilespmem:v0+s25+$0x420 ss:$0x1], $0xffff  }
0x66: {  	[tilespmem:s22+$0x14A0 ss:$0x21] =	vst.msk $0xffff, v2;
	v59 =	vld.idx.msk [tilespmem:v0+s25+$0x430 ss:$0x1], $0xffff  }
0x67: {  	[tilespmem:s22+$0x16B0 ss:$0x21] =	vst.msk $0xffff, v3;
	v60 =	vld.idx.msk [tilespmem:v0+s25+$0x440 ss:$0x1], $0xffff  }
0x68: {  	s26 =	sand.u32 $0x80, s26;
	s27 =	sand.u32 $0x1B00, s25;
	[tilespmem:s22+$0xE70 ss:$0x21] =	vst.msk $0xffff, v7;
	v61 =	vld.idx.msk [tilespmem:v0+s25+$0x450 ss:$0x1], $0xffff  }
0x69: {  	s29 =	sshll.u32 s10, $0x3;
	s24 =	sshra.s32 s24, $0x2;
	v62 =	vld.idx.msk [tilespmem:v0+s25+$0x460 ss:$0x1], $0xffff;
	s20 =	sadd.s32 s27, s20;
	[tilespmem:s22+$0x18C0 ss:$0x21] =	vst.msk $0xffff, v4  }
0x6a: {  	p1 =	sgt.s32 s11, $0x19;
	s31 =	sand.u32 $0xFFFFFC00, s29;
	v63 =	vld.idx.msk [tilespmem:v0+s25+$0x470 ss:$0x1], $0xffff;
	s23 =	sadd.s32 s26, s20;
	[tilespmem:s22+$0x1AD0 ss:$0x21] =	vst.msk $0xffff, v5  }
0x6b: {  	p2 =	sgt.s32 s10, $0x60;
	s29 =	sshra.s32 s11, $0x1F;
	s25 =	smul.u32 $0x186A00, s11;
	v48 =	vld [tilespmem:s23+$0x400];
	[tilespmem:s22+$0x1CE0 ss:$0x21] =	vst.msk $0xffff, v6  }
0x6c: {  	s26 =	sshll.u32 s9, $0x7;
	s20 =	sadd.s32 s24, s21;
	s24 =	sand.u32 s29, s11;
	v49 =	vld [tilespmem:s23+$0x0];
	[tilespmem:s22+$0x1EF0 ss:$0x21] =	vst.msk $0xffff, v47  }
0x6d: {  	s29 =	sshra.s32 s9, $0x1F;
	v50 =	vld [tilespmem:s23+$0x10];
	s30 =	sand.u32 $0xFFFFFC00, s26;
	s28 =	sand.u32 $0x380, s26;
	[tilespmem:s20+$0x1290 ss:$0x21] =	vst.msk $0xffff, v57  }
0x6e: {  	v51 =	vld [tilespmem:s23+$0x20];
	s27 =	sadd.s32 s31, s30;
	s22 =	smov.u32 s11;
	s31 =	sshra.s32 s10, $0x1F;
	[tilespmem:s20+$0x14A0 ss:$0x21] =	vst.msk $0xffff, v58  }
0x6f: {  	v52 =	vld [tilespmem:s23+$0x30];
	s21 =	sor.u32 s28, s27;
	s22 =	simm.s32 @!p1 $0x19;
	s28 =	sand.u32 s31, s10;
	[tilespmem:s20+$0x16B0 ss:$0x21] =	vst.msk $0xffff, v59  }
0x70: {  	v53 =	vld [tilespmem:s23+$0x40];
	s27 =	smov.u32 s9;
	[tilespmem:s20+$0x18C0 ss:$0x21] =	vst.msk $0xffff, v60;
	s21 =	sshrl.u32 s21, $0x7;
	s22 =	ssub.s32 s22, s24  }
0x71: {  	v54 =	vld [tilespmem:s23+$0x50];
	[tilespmem:s20+$0x1AD0 ss:$0x21] =	vst.msk $0xffff, v61;
	s24 =	smov.u32 s10;
	s26 =	smulhi.u32 $0x14F8B59, s21;
	s30 =	sadd.s32 $0xFFFFFFE7, s22  }
0x72: {  	v55 =	vld [tilespmem:s23+$0x60];
	[tilespmem:s20+$0x1CE0 ss:$0x21] =	vst.msk $0xffff, v62;
	s24 =	simm.s32 @!p2 $0x60;
	p2 =	sgt.s32 s9, $0x185A0;
	s22 =	ssub.s32 $0x1A, s22  }
0x73: {  	v56 =	vld [tilespmem:s23+$0x70];
	[tilespmem:s20+$0x1EF0 ss:$0x21] =	vst.msk $0xffff, v63;
	p1 =	sgt.s32 s30, $0x0;
	s23 =	ssub.s32 s24, s28;
	s27 =	simm.s32 @!p2 $0x185A0  }
0x74: {  	[tilespmem:s20+$0x1080 ss:$0x21] =	vst.msk $0xffff, v48;
	s24 =	sand.u32 s29, s9;
	s28 =	sand.u32 $0x7, s10;
	s26 =	sshrl.u32 s26, $0x9  }
0x75: {  	[tilespmem:s20+$0x0 ss:$0x21] =	vst.msk $0xffff, v49;
	s24 =	ssub.s32 s27, s24;
	s30 =	sadd.s32 $0xFFFFFFA0, s23;
	s22 =	simm.s32 @p1 $0x0  }
0x76: {  	[tilespmem:s20+$0x210 ss:$0x21] =	vst.msk $0xffff, v50;
	s23 =	ssub.s32 $0x80, s23;
	s27 =	sshrl.u32 s10, $0x3;
	p1 =	sgt.s32 s30, $0x1F  }
0x77: {  	[tilespmem:s20+$0x420 ss:$0x21] =	vst.msk $0xffff, v51;
	s26 =	smul.u32 $0x186A0, s26;
	s31 =	sadd.s32 $0xFFFE7A60, s24;
	s23 =	simm.s32 @p1 $0x0  }
0x78: {  	[tilespmem:s20+$0x630 ss:$0x21] =	vst.msk $0xffff, v52;
	s24 =	ssub.s32 $0x186A0, s24;
	p1 =	sgt.s32 s31, $0xFF;
	s22 =	smul.u32 s22, s23  }
.Ltmp4:
0x79: {  	[tilespmem:s20+$0x840 ss:$0x21] =	vst.msk $0xffff, v53;
	s24 =	simm.s32 @p1 $0x0;
	s21 =	ssub.s32 s21, s26;
	(pc) =	sbr.rel .LBB1_5-.Ltmp4, $4  }
0x7a: {  	[tilespmem:s20+$0xA50 ss:$0x21] =	vst.msk $0xffff, v54;
	s23 =	sadd.s32 s5, s25;
	s22 =	smul.u32 s24, s22;
	s24 =	sand.u32 $0xF, s27  }
0x7b: {  	[tilespmem:s20+$0xC60 ss:$0x21] =	vst.msk $0xffff, v55;
	s29 =	sshll.u32 s28, $0x12;
	s21 =	sshll.u32 s21, $0x4;
	s23 =	sadd.s32 s24, s23  }
0x7c: {  	[tilespmem:s20+$0xE70 ss:$0x21] =	vst.msk $0xffff, v56;
	s31 =	sor.u32 $0x20, s29;
	s30 =	sand.u32 $0x3FFFFFFF, s22;
	s21 =	sadd.s32 s21, s23  }
0x7d: {  	[hbm4b:s21+s31] =	stream.strided.scatter [tilespmem:s19], [sflag:$0x2], s30, s8, s31, $0x10;
	[tilespmem:$0x8200] =	vst v63  }
.LBB1_6:
0x7e: {  	_ =	sfence.sel $0x180000  }
0x7f: {  	s2 =	simm.s32 $0x1;
	[bflag:$0x0] =	sbarrier.arrive $0xFFFF  }
0x80: {  	s31 =	simm.s32 $0x2;
	[sflag:s2] =	ssyncpa.u1 $0x1  }
0x81: {  	[sflag:s31] =	ssyncpa.u1 $0x1  }
0x82: {  	p0 =	sne.s32 s0, $0x0;
	_ =	strace $0x90000047  }
0x83: {  	s0 =	sadd.s32 @!p0 $0x100000, s1;
	[bflag:$0x2] =	sbarrier.arrive $0xFFFF  }
0x84: {  	[sflag:s0] =	ssyncadd.tile.s32 @!p0 $0x1;
	_ =	shalt  }
.Lfunc_end1:
_tile_overlayer_lowered:
.L_overlay_start_2:
0x85: {  	(tag) =	ssettag $0x2  }
0x86: {  	s0 =	rddreg [dreg:$0x0];
	s2 =	stileid.u32  }
0x87: {  	s1 =	rddreg [dreg:$0x1];
	p0 =	sne.s32 s2, $0x0  }
0x88: {  	s3 =	rddreg [dreg:$0x2];
	[bflag:$0x3] =	sbarrier.arrive $0xFFFF;
	s2 =	simm.s32 @!p0 $0x1C01  }
0x89: {  	[timem:s3], [sflag:s2] =	dma.local @!p0 [hbm:s0], s1  }
0x8a: {  	s0 =	simm.s32 @!p0 $0x1  }
0x8b: {  	_ =	swait.ge @!p0 [sflag:s0], s1  }
0x8c: {  	s1 =	ssub.s32 @!p0 $0x0, s1;
	[sflag:s0] =	ssyncset.done @!p0 $0x0  }
0x8d: {  	[sflag:s0] =	ssyncadd.s32 @!p0 s1  }
0x8e: {  	[bflag:$0x3] =	sbarrier.arrive $0xFFFF  }
0x8f: {  	_ =	shalt  }

</sc_bundles>
